<compile_context>
chip_gen: v7x
topology: tpu7x:2x2x1
jax: 0.10.2.dev20260603
libtpu: 0.0.44.dev20260713+nightly
codegen_flags: <defaults>
</compile_context>

<pallas_src>
import functools

import jax
import jax.numpy as jnp
from jax import lax
from jax.experimental import pallas as pl
from jax.experimental.pallas import tpu as pltpu
from jax.experimental.pallas import tpu_sc as plsc

_N = 10000
_E = 160000
_D = 256
_DH = 128
_NC = 2
_NS = 16
_CHUNK = 128
_CPT = 80
_EPT = _CPT * _CHUNK
_EPAD = _NS * _EPT
_NACC = 10240
_ZPT = _NACC // _NS
_OPT = _ZPT


def _sc_body(xh, epack, g_out, cnt_out,
             acc, cntacc, eidx0, eidx1, didx0, didx1, gidx0, gidx1,
             rows0, rows1, ones_v, czero, semg0, semg1, semi0, semi1,
             sems0, sems1, semc0, semc1):
    c = lax.axis_index("c")
    s = lax.axis_index("s")

    def zrow(r, carry):
        for j in range(_DH // 32):
            rows0[r, pl.ds(j * 32, 32)] = jnp.zeros((32,), jnp.bfloat16)
        return carry
    lax.fori_loop(0, _CHUNK, zrow, 0)

    def orow(r, carry):
        ones_v[r, pl.ds(0, 16)] = jnp.ones((16,), jnp.float32)
        czero[r, pl.ds(0, 16)] = jnp.zeros((16,), jnp.float32)
        return carry
    lax.fori_loop(0, _CHUNK, orow, 0)

    zbase = s * _ZPT
    for i in range(_ZPT // _CHUNK):
        pltpu.sync_copy(rows0.at[:, :], acc.at[pl.ds(zbase + i * _CHUNK, _CHUNK)])
        pltpu.sync_copy(czero.at[:, :],
                        cntacc.at[pl.ds(zbase + i * _CHUNK, _CHUNK)])
    plsc.subcore_barrier()

    ebase = s * _CPT * 2 * _CHUNK

    def start_idx(t, eidx, semi):
        pltpu.async_copy(epack.at[pl.ds(ebase + t * 2 * _CHUNK, 2 * _CHUNK)],
                         eidx, semi)

    def wait_idx(eidx, semi):
        pltpu.make_async_copy(epack.at[pl.ds(ebase, 2 * _CHUNK)], eidx,
                              semi).wait()

    def build(eidx, gidx, didx):
        for j in range(_CHUNK // 16):
            sl = pl.ds(j * 16, 16)
            v = eidx[sl]
            gidx[sl] = v + v + c
            didx[sl] = eidx[pl.ds(_CHUNK + j * 16, 16)]

    def scatter(rows, didx, cnt_core, sems, semc):
        pltpu.async_copy(rows, acc.at[didx], sems, add=True)

        @pl.when(c == cnt_core)
        def _():
            pltpu.async_copy(ones_v, cntacc.at[didx], semc, add=True)

    def wait_scat(rows, didx, sems):
        pltpu.make_async_copy(rows, acc.at[didx], sems).wait()

    def wait_cnt(cnt_core, didx, semc):
        @pl.when(c == cnt_core)
        def _():
            pltpu.make_async_copy(ones_v, cntacc.at[didx], semc).wait()

    start_idx(0, eidx0, semi0)
    wait_idx(eidx0, semi0)
    build(eidx0, gidx0, didx0)
    pltpu.async_copy(xh.at[gidx0], rows0, semg0)
    start_idx(1, eidx1, semi1)

    def step(i, carry):
        t0 = 2 * i
        last = _CPT // 2 - 1
        wait_idx(eidx1, semi1)

        @pl.when(i > 0)
        def _():
            wait_cnt(1, didx1, semc1)
            wait_scat(rows1, didx1, sems1)
        build(eidx1, gidx1, didx1)
        pltpu.make_async_copy(xh.at[gidx0], rows0, semg0).wait()
        pltpu.async_copy(xh.at[gidx1], rows1, semg1)

        @pl.when(i < last)
        def _():
            start_idx(t0 + 2, eidx0, semi0)

        scatter(rows0, didx0, 0, sems0, semc0)

        @pl.when(i < last)
        def _():
            wait_idx(eidx0, semi0)
            wait_cnt(0, didx0, semc0)
            wait_scat(rows0, didx0, sems0)
            build(eidx0, gidx0, didx0)

        pltpu.make_async_copy(xh.at[gidx1], rows1, semg1).wait()

        @pl.when(i < last)
        def _():
            pltpu.async_copy(xh.at[gidx0], rows0, semg0)
            start_idx(t0 + 3, eidx1, semi1)

        scatter(rows1, didx1, 1, sems1, semc1)
        return carry

    lax.fori_loop(0, _CPT // 2, step, 0)
    wait_cnt(0, didx0, semc0)
    wait_scat(rows0, didx0, sems0)
    wait_cnt(1, didx1, semc1)
    wait_scat(rows1, didx1, sems1)
    plsc.subcore_barrier()

    obase = s * _OPT
    pltpu.sync_copy(acc.at[pl.ds(obase, _OPT)],
                    g_out.at[pl.ds(obase, _OPT), c])

    pltpu.sync_copy(cntacc.at[pl.ds(obase, _OPT)],
                    cnt_out.at[c, pl.ds(obase, _OPT)])


@functools.cache
def _get_sc_call():
    return pl.kernel(
        _sc_body,
        out_type=(
            jax.ShapeDtypeStruct((_NACC, _NC, _DH), jnp.bfloat16),
            jax.ShapeDtypeStruct((_NC, _NACC, 16), jnp.float32),
        ),
        mesh=plsc.VectorSubcoreMesh(core_axis_name="c", subcore_axis_name="s",
                                    num_cores=_NC, num_subcores=_NS),
        compiler_params=pltpu.CompilerParams(use_tc_tiling_on_sc=False),
        scratch_types=[
            pltpu.VMEM_SHARED((_NACC, _DH), jnp.bfloat16),
            pltpu.VMEM_SHARED((_NACC, 16), jnp.float32),
            pltpu.VMEM((2 * _CHUNK,), jnp.int32),
            pltpu.VMEM((2 * _CHUNK,), jnp.int32),
            pltpu.VMEM((_CHUNK,), jnp.int32),
            pltpu.VMEM((_CHUNK,), jnp.int32),
            pltpu.VMEM((_CHUNK,), jnp.int32),
            pltpu.VMEM((_CHUNK,), jnp.int32),
            pltpu.VMEM((_CHUNK, _DH), jnp.bfloat16),
            pltpu.VMEM((_CHUNK, _DH), jnp.bfloat16),
            pltpu.VMEM((_CHUNK, 16), jnp.float32),
            pltpu.VMEM((_CHUNK, 16), jnp.float32),
            pltpu.SemaphoreType.DMA,
            pltpu.SemaphoreType.DMA,
            pltpu.SemaphoreType.DMA,
            pltpu.SemaphoreType.DMA,
            pltpu.SemaphoreType.DMA,
            pltpu.SemaphoreType.DMA,
            pltpu.SemaphoreType.DMA,
            pltpu.SemaphoreType.DMA,
        ],
    )


_RB = 2000
_NB = _N // _RB


def _tcf(x_ref, g_ref, cnt_ref, params_ref, w1_ref, w2_ref, o_ref,
         h_ref, xs_ref, stats_ref):
    p = pl.program_id(0)
    i = pl.program_id(1)

    @pl.when(p == 0)
    def _():
        xb = x_ref[:, :]
        xs_ref[pl.ds(i * _RB, _RB), :] = xb
        c0 = cnt_ref[0, :, 0:1] + cnt_ref[1, :, 0:1]
        emb = params_ref[0:1, :]
        g32 = g_ref[:, :].astype(jnp.float32)
        k = jnp.where(c0 > 0.0,
                      xb - emb * g32 / jnp.maximum(c0, 1.0),
                      0.0)
        h = jnp.dot(k.astype(jnp.bfloat16), w1_ref[:, :],
                    preferred_element_type=jnp.float32)
        h_ref[pl.ds(i * _RB, _RB), :] = h

        @pl.when(i == 0)
        def _():
            stats_ref[:, :] = jnp.zeros_like(stats_ref)

        stats_ref[0:1, :] += jnp.sum(h, axis=0, keepdims=True)
        stats_ref[1:2, :] += jnp.sum(h * h, axis=0, keepdims=True)

    @pl.when(p == 1)
    def _():
        mu = stats_ref[0:1, :] * (1.0 / _N)
        var = stats_ref[1:2, :] * (1.0 / _N) - mu * mu
        inv = lax.rsqrt(var + 1e-5)
        gamma = params_ref[1:2, :]
        beta = params_ref[2:3, :]
        b2 = params_ref[3:4, :]
        h = h_ref[pl.ds(i * _RB, _RB), :]
        hn = jnp.maximum((h - mu) * inv * gamma + beta, 0.0)
        o_ref[:, :] = (xs_ref[pl.ds(i * _RB, _RB), :]
                       + jnp.dot(hn.astype(jnp.bfloat16), w2_ref[:, :],
                                 preferred_element_type=jnp.float32)
                       + b2)


_tcf_call = pl.pallas_call(
    _tcf,
    grid=(2, _NB),
    in_specs=[
        pl.BlockSpec((_RB, _D), lambda p, i: (i * (1 - p), 0)),
        pl.BlockSpec((_RB, _D), lambda p, i: (i * (1 - p), 0)),
        pl.BlockSpec((2, _RB, 16), lambda p, i: (0, i * (1 - p), 0)),
        pl.BlockSpec((8, _D), lambda p, i: (0, 0)),
        pl.BlockSpec((_D, _D), lambda p, i: (0, 0)),
        pl.BlockSpec((_D, _D), lambda p, i: (0, 0)),
    ],
    out_specs=pl.BlockSpec((_RB, _D), lambda p, i: (i, 0)),
    out_shape=jax.ShapeDtypeStruct((_N, _D), jnp.float32),
    scratch_shapes=[
        pltpu.VMEM((_N, _D), jnp.float32),
        pltpu.VMEM((_N, _D), jnp.float32),
        pltpu.VMEM((8, _D), jnp.float32),
    ],
)


def kernel(x, edge_index, emb, W1, gamma, beta, W2, b2):
    src = edge_index[0]
    dst = edge_index[1]
    pad = _EPAD - _E
    r = jnp.arange(pad, dtype=jnp.int32)
    srcp = jnp.concatenate([src, r % _N])
    dstp = jnp.concatenate([dst, _N + r % (_NACC - _N)])
    epack = jnp.concatenate([srcp.reshape(-1, _CHUNK),
                             dstp.reshape(-1, _CHUNK)], axis=1).reshape(-1)
    xh = x.astype(jnp.bfloat16).reshape(2 * _N, _DH)

    g2, cntp = _get_sc_call()(xh, epack)
    g = g2.reshape(_NACC, _D)

    params = (jnp.zeros((8, _D), jnp.float32)
              .at[0].set(emb[0]).at[1].set(gamma)
              .at[2].set(beta).at[3].set(b2))

    return _tcf_call(x, g, cntp, params,
                     W1.astype(jnp.bfloat16), W2.astype(jnp.bfloat16))

# --- scband reference (transcript-rebuilt; emitter-appended) ---
"""Pipeline reference for scband-gcn-node-44083544326957 (READ-ONLY COPY).

The authoritative reference and input builder live on the scoring server;
editing this copy changes nothing except your own understanding.
"""

import jax, jax.numpy as jnp
import numpy as np

N = 10000
E = 160000
D = 256

def setup_inputs(seed: int = 0) -> dict:
    key = jax.random.key(seed)
    ks = jax.random.split(key, 8)
    x = jax.random.normal(ks[0], (N, D), dtype=jnp.float32)
    edge_index = jax.random.randint(ks[1], (2, E), 0, N, dtype=jnp.int32)
    emb = jax.random.normal(ks[2], (1, D), dtype=jnp.float32)
    # MLP params: Linear(D->D, no bias) -> BatchNorm1d(D) -> ReLU -> Linear(D->D)
    W1 = jax.random.normal(ks[3], (D, D), dtype=jnp.float32) * (1.0 / np.sqrt(D))
    gamma = jnp.ones((D,), dtype=jnp.float32)
    beta = jnp.zeros((D,), dtype=jnp.float32)
    W2 = jax.random.normal(ks[4], (D, D), dtype=jnp.float32) * (1.0 / np.sqrt(D))
    b2 = jnp.zeros((D,), dtype=jnp.float32)
    return {"x": x, "edge_index": edge_index, "emb": emb,
            "W1": W1, "gamma": gamma, "beta": beta, "W2": W2, "b2": b2}

def reference(x, edge_index, emb, W1, gamma, beta, W2, b2):
    # Single canonical etype; edge_dict maps 'rel0' -> row 0 of emb.
    src = edge_index[0]
    dst = edge_index[1]
    # edge message: m = dst.feat - src.feat * emb_row  (emb broadcast over edges)
    m = x[dst] - x[src] * emb[0]
    # fn.mean('m','k'): mean of incoming messages per dst node (0 for isolated nodes)
    s = jax.ops.segment_sum(m, dst, num_segments=N)
    cnt = jax.ops.segment_sum(jnp.ones((E,), dtype=jnp.float32), dst, num_segments=N)
    cnt = cnt[:, None]
    k = jnp.where(cnt > 0, s / jnp.maximum(cnt, 1.0), 0.0)
    # MLP: Linear(no bias) -> BatchNorm1d (training-mode batch stats) -> ReLU -> Linear
    h = k @ W1
    mu = jnp.mean(h, axis=0)
    var = jnp.var(h, axis=0)
    h = (h - mu) / jnp.sqrt(var + 1e-5) * gamma + beta
    h = jax.nn.relu(h)
    k = h @ W2 + b2
    # residual update of node features
    feat = x + k
    return feat

if __name__ == "__main__":
    import jax
    _d = setup_inputs()
    print(jax.jit(kernel)(*tuple(_d.values())))

</pallas_src>

<mosaic_0001>
#map = affine_map<(d0, d1) -> (0, 0)>
#map1 = affine_map<(d0, d1) -> (0)>
#map2 = affine_map<(d0, d1) -> (0, 0, 0)>
module attributes {stable_mosaic.version = 14 : i64} {
  func.func @_sc_body(%arg0: i32, %arg1: i32, %arg2: memref<20000x128xbf16, #tpu.memory_space<hbm>>, %arg3: memref<327680xi32, #tpu.memory_space<hbm>>, %arg4: memref<10240x2x128xbf16, #tpu.memory_space<hbm>>, %arg5: memref<2x10240x16xf32, #tpu.memory_space<hbm>>, %arg6: memref<10240x128xbf16, #tpu.memory_space<vmem_shared>>, %arg7: memref<10240x16xf32, #tpu.memory_space<vmem_shared>>, %arg8: memref<256xi32, #tpu.memory_space<vmem>>, %arg9: memref<256xi32, #tpu.memory_space<vmem>>, %arg10: memref<128xi32, #tpu.memory_space<vmem>>, %arg11: memref<128xi32, #tpu.memory_space<vmem>>, %arg12: memref<128xi32, #tpu.memory_space<vmem>>, %arg13: memref<128xi32, #tpu.memory_space<vmem>>, %arg14: memref<128x128xbf16, #tpu.memory_space<vmem>>, %arg15: memref<128x128xbf16, #tpu.memory_space<vmem>>, %arg16: memref<128x16xf32, #tpu.memory_space<vmem>>, %arg17: memref<128x16xf32, #tpu.memory_space<vmem>>, %arg18: memref<!tpu.dma_semaphore, #tpu.memory_space<semaphore_mem>>, %arg19: memref<!tpu.dma_semaphore, #tpu.memory_space<semaphore_mem>>, %arg20: memref<!tpu.dma_semaphore, #tpu.memory_space<semaphore_mem>>, %arg21: memref<!tpu.dma_semaphore, #tpu.memory_space<semaphore_mem>>, %arg22: memref<!tpu.dma_semaphore, #tpu.memory_space<semaphore_mem>>, %arg23: memref<!tpu.dma_semaphore, #tpu.memory_space<semaphore_mem>>, %arg24: memref<!tpu.dma_semaphore, #tpu.memory_space<semaphore_mem>>, %arg25: memref<!tpu.dma_semaphore, #tpu.memory_space<semaphore_mem>>) attributes {dimension_semantics = [#tpu.dimension_semantics<core_parallel>, #tpu.dimension_semantics<subcore_parallel>], iteration_bounds = array<i64: 2, 16>, scalar_prefetch = 0 : i64, scratch_operands = 20 : i64, tpu.core_type = #tpu.core_type<sc_vector_subcore>, window_params = [{transform_indices = #map}, {transform_indices = #map1}, {transform_indices = #map2}, {transform_indices = #map2}]} {
    %scan3A = arith.constant 0 : i32
    %scan3A_0 = arith.constant 0 : i32
    %scan3A_1 = arith.constant 128 : i32
    %scan3A_2 = arith.addi %scan3A_0, %scan3A_1 : i32
    %scan3A_3 = arith.constant 1 : i32
    scf.for %scan3A_204 = %scan3A_0 to %scan3A_2 step %scan3A_3  : i32 {
      %broadcast_in_dim3A = arith.constant 0.000000e+00 : bf16
      %broadcast_in_dim3A_205 = vector.broadcast %broadcast_in_dim3A : bf16 to vector<32xbf16>
      %swap3A_206 = arith.index_cast %scan3A_204 : i32 to index
      %swap3A_207 = arith.constant 0 : index
      %swap3A_208 = tpu.vector_load %arg14[%swap3A_206, %swap3A_207] {strides = array<i32>} : memref<128x128xbf16, #tpu.memory_space<vmem>>, vector<1x32xbf16>,
      %swap3A_209 = vector.shape_cast %swap3A_208 : vector<1x32xbf16> to vector<32xbf16>
      %swap3A_210 = vector.shape_cast %broadcast_in_dim3A_205 : vector<32xbf16> to vector<1x32xbf16>
      tpu.vector_store %arg14[%swap3A_206, %swap3A_207], %swap3A_210 {strides = array<i32>} : memref<128x128xbf16, #tpu.memory_space<vmem>>, vector<1x32xbf16>,
      %broadcast_in_dim3A_211 = arith.constant 0.000000e+00 : bf16
      %broadcast_in_dim3A_212 = vector.broadcast %broadcast_in_dim3A_211 : bf16 to vector<32xbf16>
      %swap3A_213 = arith.index_cast %scan3A_204 : i32 to index
      %swap3A_214 = arith.constant 32 : index
      %swap3A_215 = tpu.vector_load %arg14[%swap3A_213, %swap3A_214] {strides = array<i32>} : memref<128x128xbf16, #tpu.memory_space<vmem>>, vector<1x32xbf16>,
      %swap3A_216 = vector.shape_cast %swap3A_215 : vector<1x32xbf16> to vector<32xbf16>
      %swap3A_217 = vector.shape_cast %broadcast_in_dim3A_212 : vector<32xbf16> to vector<1x32xbf16>
      tpu.vector_store %arg14[%swap3A_213, %swap3A_214], %swap3A_217 {strides = array<i32>} : memref<128x128xbf16, #tpu.memory_space<vmem>>, vector<1x32xbf16>,
      %broadcast_in_dim3A_218 = arith.constant 0.000000e+00 : bf16
      %broadcast_in_dim3A_219 = vector.broadcast %broadcast_in_dim3A_218 : bf16 to vector<32xbf16>
      %swap3A_220 = arith.index_cast %scan3A_204 : i32 to index
      %swap3A_221 = arith.constant 64 : index
      %swap3A_222 = tpu.vector_load %arg14[%swap3A_220, %swap3A_221] {strides = array<i32>} : memref<128x128xbf16, #tpu.memory_space<vmem>>, vector<1x32xbf16>,
      %swap3A_223 = vector.shape_cast %swap3A_222 : vector<1x32xbf16> to vector<32xbf16>
      %swap3A_224 = vector.shape_cast %broadcast_in_dim3A_219 : vector<32xbf16> to vector<1x32xbf16>
      tpu.vector_store %arg14[%swap3A_220, %swap3A_221], %swap3A_224 {strides = array<i32>} : memref<128x128xbf16, #tpu.memory_space<vmem>>, vector<1x32xbf16>,
      %broadcast_in_dim3A_225 = arith.constant 0.000000e+00 : bf16
      %broadcast_in_dim3A_226 = vector.broadcast %broadcast_in_dim3A_225 : bf16 to vector<32xbf16>
      %swap3A_227 = arith.index_cast %scan3A_204 : i32 to index
      %swap3A_228 = arith.constant 96 : index
      %swap3A_229 = tpu.vector_load %arg14[%swap3A_227, %swap3A_228] {strides = array<i32>} : memref<128x128xbf16, #tpu.memory_space<vmem>>, vector<1x32xbf16>,
      %swap3A_230 = vector.shape_cast %swap3A_229 : vector<1x32xbf16> to vector<32xbf16>
      %swap3A_231 = vector.shape_cast %broadcast_in_dim3A_226 : vector<32xbf16> to vector<1x32xbf16>
      tpu.vector_store %arg14[%swap3A_227, %swap3A_228], %swap3A_231 {strides = array<i32>} : memref<128x128xbf16, #tpu.memory_space<vmem>>, vector<1x32xbf16>,
    }
    %scan3A_4 = arith.constant 128 : i32
    %scan3A_5 = arith.constant 0 : i32
    %scan3A_6 = arith.constant 0 : i32
    %scan3A_7 = arith.constant 128 : i32
    %scan3A_8 = arith.addi %scan3A_6, %scan3A_7 : i32
    %scan3A_9 = arith.constant 1 : i32
    scf.for %scan3A_204 = %scan3A_6 to %scan3A_8 step %scan3A_9  : i32 {
      %broadcast_in_dim3A = arith.constant 1.000000e+00 : f32
      %broadcast_in_dim3A_205 = vector.broadcast %broadcast_in_dim3A : f32 to vector<16xf32>
      %swap3A_206 = arith.index_cast %scan3A_204 : i32 to index
      %swap3A_207 = arith.constant 0 : index
      %swap3A_208 = tpu.vector_load %arg16[%swap3A_206, %swap3A_207] {strides = array<i32>} : memref<128x16xf32, #tpu.memory_space<vmem>>, vector<1x16xf32>,
      %swap3A_209 = vector.shape_cast %swap3A_208 : vector<1x16xf32> to vector<16xf32>
      %swap3A_210 = vector.shape_cast %broadcast_in_dim3A_205 : vector<16xf32> to vector<1x16xf32>
      tpu.vector_store %arg16[%swap3A_206, %swap3A_207], %swap3A_210 {strides = array<i32>} : memref<128x16xf32, #tpu.memory_space<vmem>>, vector<1x16xf32>,
      %broadcast_in_dim3A_211 = arith.constant 0.000000e+00 : f32
      %broadcast_in_dim3A_212 = vector.broadcast %broadcast_in_dim3A_211 : f32 to vector<16xf32>
      %swap3A_213 = arith.index_cast %scan3A_204 : i32 to index
      %swap3A_214 = arith.constant 0 : index
      %swap3A_215 = tpu.vector_load %arg17[%swap3A_213, %swap3A_214] {strides = array<i32>} : memref<128x16xf32, #tpu.memory_space<vmem>>, vector<1x16xf32>,
      %swap3A_216 = vector.shape_cast %swap3A_215 : vector<1x16xf32> to vector<16xf32>
      %swap3A_217 = vector.shape_cast %broadcast_in_dim3A_212 : vector<16xf32> to vector<1x16xf32>
      tpu.vector_store %arg17[%swap3A_213, %swap3A_214], %swap3A_217 {strides = array<i32>} : memref<128x16xf32, #tpu.memory_space<vmem>>, vector<1x16xf32>,
    }
    %scan3A_10 = arith.constant 128 : i32
    %mul3A = arith.constant 640 : i32
    %mul3A_11 = arith.muli %arg1, %mul3A : i32
    %add3A = arith.constant 0 : i32
    %add3A_12 = arith.addi %mul3A_11, %add3A : i32
    "tpu.region"() ({
      %run_scoped3A = tpu.sem_alloc : memref<!tpu.dma_semaphore, #tpu.memory_space<semaphore_mem>>
      %dma_start3A_204 = arith.constant 0 : i32
      %dma_start3A_205 = arith.constant 0 : i32
      %dma_start3A_206 = tpu.memref_slice %arg14[%dma_start3A_204, %dma_start3A_205] : memref<128x128xbf16, #tpu.memory_space<vmem>> -> memref<128x128xbf16, #tpu.memory_space<vmem>>
      %dma_start3A_207 = arith.constant 0 : i32
      %dma_start3A_208 = tpu.memref_slice %arg6[%add3A_12, %dma_start3A_207] : memref<10240x128xbf16, #tpu.memory_space<vmem_shared>> -> memref<128x128xbf16, #tpu.memory_space<vmem_shared>>
      %dma_start3A_209 = arith.constant 0 : i32
      %dma_start3A_210 = tpu.memref_slice %arg6[%add3A_12, %dma_start3A_209] : memref<10240x128xbf16, #tpu.memory_space<vmem_shared>> -> memref<128x128xbf16, #tpu.memory_space<vmem_shared>>
      %dma_start3A_211 = arith.constant 0 : i32
      %dma_start3A_212 = arith.constant 0 : i32
      %dma_start3A_213 = tpu.memref_slice %arg14[%dma_start3A_211, %dma_start3A_212] : memref<128x128xbf16, #tpu.memory_space<vmem>> -> memref<128x128xbf16, #tpu.memory_space<vmem>>
      tpu.enqueue_dma source(%dma_start3A_213 : memref<128x128xbf16, #tpu.memory_space<vmem>>) target(%dma_start3A_210 : memref<128x128xbf16, #tpu.memory_space<vmem_shared>>) target_semaphore(%run_scoped3A : memref<!tpu.dma_semaphore, #tpu.memory_space<semaphore_mem>>)
      %dma_wait3A_214 = arith.constant 0 : i32
      %dma_wait3A_215 = arith.constant 0 : i32
      %dma_wait3A_216 = tpu.memref_slice %arg14[%dma_wait3A_214, %dma_wait3A_215] : memref<128x128xbf16, #tpu.memory_space<vmem>> -> memref<128x128xbf16, #tpu.memory_space<vmem>>
      %dma_wait3A_217 = arith.constant 0 : i32
      %dma_wait3A_218 = tpu.memref_slice %arg6[%add3A_12, %dma_wait3A_217] : memref<10240x128xbf16, #tpu.memory_space<vmem_shared>> -> memref<128x128xbf16, #tpu.memory_space<vmem_shared>>
      %dma_wait3A_219 = arith.constant 0 : i32
      %dma_wait3A_220 = tpu.memref_slice %arg6[%add3A_12, %dma_wait3A_219] : memref<10240x128xbf16, #tpu.memory_space<vmem_shared>> -> memref<128x128xbf16, #tpu.memory_space<vmem_shared>>
      %dma_wait3A_221 = arith.constant 0 : i32
      %dma_wait3A_222 = arith.constant 0 : i32
      %dma_wait3A_223 = tpu.memref_slice %arg14[%dma_wait3A_221, %dma_wait3A_222] : memref<128x128xbf16, #tpu.memory_space<vmem>> -> memref<128x128xbf16, #tpu.memory_space<vmem>>
      tpu.wait_dma2 semaphore(%run_scoped3A : memref<!tpu.dma_semaphore, #tpu.memory_space<semaphore_mem>>) src(%dma_wait3A_223 : memref<128x128xbf16, #tpu.memory_space<vmem>>) dst(%dma_wait3A_220 : memref<128x128xbf16, #tpu.memory_space<vmem_shared>>)
      tpu.yield
    }) : () -> ()
    %add3A_13 = arith.constant 0 : i32
    %add3A_14 = arith.addi %mul3A_11, %add3A_13 : i32
    "tpu.region"() ({
      %run_scoped3A = tpu.sem_alloc : memref<!tpu.dma_semaphore, #tpu.memory_space<semaphore_mem>>
      %dma_start3A_204 = arith.constant 0 : i32
      %dma_start3A_205 = arith.constant 0 : i32
      %dma_start3A_206 = tpu.memref_slice %arg17[%dma_start3A_204, %dma_start3A_205] : memref<128x16xf32, #tpu.memory_space<vmem>> -> memref<128x16xf32, #tpu.memory_space<vmem>>
      %dma_start3A_207 = arith.constant 0 : i32
      %dma_start3A_208 = tpu.memref_slice %arg7[%add3A_14, %dma_start3A_207] : memref<10240x16xf32, #tpu.memory_space<vmem_shared>> -> memref<128x16xf32, #tpu.memory_space<vmem_shared>>
      %dma_start3A_209 = arith.constant 0 : i32
      %dma_start3A_210 = tpu.memref_slice %arg7[%add3A_14, %dma_start3A_209] : memref<10240x16xf32, #tpu.memory_space<vmem_shared>> -> memref<128x16xf32, #tpu.memory_space<vmem_shared>>
      %dma_start3A_211 = arith.constant 0 : i32
      %dma_start3A_212 = arith.constant 0 : i32
      %dma_start3A_213 = tpu.memref_slice %arg17[%dma_start3A_211, %dma_start3A_212] : memref<128x16xf32, #tpu.memory_space<vmem>> -> memref<128x16xf32, #tpu.memory_space<vmem>>
      tpu.enqueue_dma source(%dma_start3A_213 : memref<128x16xf32, #tpu.memory_space<vmem>>) target(%dma_start3A_210 : memref<128x16xf32, #tpu.memory_space<vmem_shared>>) target_semaphore(%run_scoped3A : memref<!tpu.dma_semaphore, #tpu.memory_space<semaphore_mem>>)
      %dma_wait3A_214 = arith.constant 0 : i32
      %dma_wait3A_215 = arith.constant 0 : i32
      %dma_wait3A_216 = tpu.memref_slice %arg17[%dma_wait3A_214, %dma_wait3A_215] : memref<128x16xf32, #tpu.memory_space<vmem>> -> memref<128x16xf32, #tpu.memory_space<vmem>>
      %dma_wait3A_217 = arith.constant 0 : i32
      %dma_wait3A_218 = tpu.memref_slice %arg7[%add3A_14, %dma_wait3A_217] : memref<10240x16xf32, #tpu.memory_space<vmem_shared>> -> memref<128x16xf32, #tpu.memory_space<vmem_shared>>
      %dma_wait3A_219 = arith.constant 0 : i32
      %dma_wait3A_220 = tpu.memref_slice %arg7[%add3A_14, %dma_wait3A_219] : memref<10240x16xf32, #tpu.memory_space<vmem_shared>> -> memref<128x16xf32, #tpu.memory_space<vmem_shared>>
      %dma_wait3A_221 = arith.constant 0 : i32
      %dma_wait3A_222 = arith.constant 0 : i32
      %dma_wait3A_223 = tpu.memref_slice %arg17[%dma_wait3A_221, %dma_wait3A_222] : memref<128x16xf32, #tpu.memory_space<vmem>> -> memref<128x16xf32, #tpu.memory_space<vmem>>
      tpu.wait_dma2 semaphore(%run_scoped3A : memref<!tpu.dma_semaphore, #tpu.memory_space<semaphore_mem>>) src(%dma_wait3A_223 : memref<128x16xf32, #tpu.memory_space<vmem>>) dst(%dma_wait3A_220 : memref<128x16xf32, #tpu.memory_space<vmem_shared>>)
      tpu.yield
    }) : () -> ()
    %add3A_15 = arith.constant 128 : i32
    %add3A_16 = arith.addi %mul3A_11, %add3A_15 : i32
    "tpu.region"() ({
      %run_scoped3A = tpu.sem_alloc : memref<!tpu.dma_semaphore, #tpu.memory_space<semaphore_mem>>
      %dma_start3A_204 = arith.constant 0 : i32
      %dma_start3A_205 = arith.constant 0 : i32
      %dma_start3A_206 = tpu.memref_slice %arg14[%dma_start3A_204, %dma_start3A_205] : memref<128x128xbf16, #tpu.memory_space<vmem>> -> memref<128x128xbf16, #tpu.memory_space<vmem>>
      %dma_start3A_207 = arith.constant 0 : i32
      %dma_start3A_208 = tpu.memref_slice %arg6[%add3A_16, %dma_start3A_207] : memref<10240x128xbf16, #tpu.memory_space<vmem_shared>> -> memref<128x128xbf16, #tpu.memory_space<vmem_shared>>
      %dma_start3A_209 = arith.constant 0 : i32
      %dma_start3A_210 = tpu.memref_slice %arg6[%add3A_16, %dma_start3A_209] : memref<10240x128xbf16, #tpu.memory_space<vmem_shared>> -> memref<128x128xbf16, #tpu.memory_space<vmem_shared>>
      %dma_start3A_211 = arith.constant 0 : i32
      %dma_start3A_212 = arith.constant 0 : i32
      %dma_start3A_213 = tpu.memref_slice %arg14[%dma_start3A_211, %dma_start3A_212] : memref<128x128xbf16, #tpu.memory_space<vmem>> -> memref<128x128xbf16, #tpu.memory_space<vmem>>
      tpu.enqueue_dma source(%dma_start3A_213 : memref<128x128xbf16, #tpu.memory_space<vmem>>) target(%dma_start3A_210 : memref<128x128xbf16, #tpu.memory_space<vmem_shared>>) target_semaphore(%run_scoped3A : memref<!tpu.dma_semaphore, #tpu.memory_space<semaphore_mem>>)
      %dma_wait3A_214 = arith.constant 0 : i32
      %dma_wait3A_215 = arith.constant 0 : i32
      %dma_wait3A_216 = tpu.memref_slice %arg14[%dma_wait3A_214, %dma_wait3A_215] : memref<128x128xbf16, #tpu.memory_space<vmem>> -> memref<128x128xbf16, #tpu.memory_space<vmem>>
      %dma_wait3A_217 = arith.constant 0 : i32
      %dma_wait3A_218 = tpu.memref_slice %arg6[%add3A_16, %dma_wait3A_217] : memref<10240x128xbf16, #tpu.memory_space<vmem_shared>> -> memref<128x128xbf16, #tpu.memory_space<vmem_shared>>
      %dma_wait3A_219 = arith.constant 0 : i32
      %dma_wait3A_220 = tpu.memref_slice %arg6[%add3A_16, %dma_wait3A_219] : memref<10240x128xbf16, #tpu.memory_space<vmem_shared>> -> memref<128x128xbf16, #tpu.memory_space<vmem_shared>>
      %dma_wait3A_221 = arith.constant 0 : i32
      %dma_wait3A_222 = arith.constant 0 : i32
      %dma_wait3A_223 = tpu.memref_slice %arg14[%dma_wait3A_221, %dma_wait3A_222] : memref<128x128xbf16, #tpu.memory_space<vmem>> -> memref<128x128xbf16, #tpu.memory_space<vmem>>
      tpu.wait_dma2 semaphore(%run_scoped3A : memref<!tpu.dma_semaphore, #tpu.memory_space<semaphore_mem>>) src(%dma_wait3A_223 : memref<128x128xbf16, #tpu.memory_space<vmem>>) dst(%dma_wait3A_220 : memref<128x128xbf16, #tpu.memory_space<vmem_shared>>)
      tpu.yield
    }) : () -> ()
    %add3A_17 = arith.constant 128 : i32
    %add3A_18 = arith.addi %mul3A_11, %add3A_17 : i32
    "tpu.region"() ({
      %run_scoped3A = tpu.sem_alloc : memref<!tpu.dma_semaphore, #tpu.memory_space<semaphore_mem>>
      %dma_start3A_204 = arith.constant 0 : i32
      %dma_start3A_205 = arith.constant 0 : i32
      %dma_start3A_206 = tpu.memref_slice %arg17[%dma_start3A_204, %dma_start3A_205] : memref<128x16xf32, #tpu.memory_space<vmem>> -> memref<128x16xf32, #tpu.memory_space<vmem>>
      %dma_start3A_207 = arith.constant 0 : i32
      %dma_start3A_208 = tpu.memref_slice %arg7[%add3A_18, %dma_start3A_207] : memref<10240x16xf32, #tpu.memory_space<vmem_shared>> -> memref<128x16xf32, #tpu.memory_space<vmem_shared>>
      %dma_start3A_209 = arith.constant 0 : i32
      %dma_start3A_210 = tpu.memref_slice %arg7[%add3A_18, %dma_start3A_209] : memref<10240x16xf32, #tpu.memory_space<vmem_shared>> -> memref<128x16xf32, #tpu.memory_space<vmem_shared>>
      %dma_start3A_211 = arith.constant 0 : i32
      %dma_start3A_212 = arith.constant 0 : i32
      %dma_start3A_213 = tpu.memref_slice %arg17[%dma_start3A_211, %dma_start3A_212] : memref<128x16xf32, #tpu.memory_space<vmem>> -> memref<128x16xf32, #tpu.memory_space<vmem>>
      tpu.enqueue_dma source(%dma_start3A_213 : memref<128x16xf32, #tpu.memory_space<vmem>>) target(%dma_start3A_210 : memref<128x16xf32, #tpu.memory_space<vmem_shared>>) target_semaphore(%run_scoped3A : memref<!tpu.dma_semaphore, #tpu.memory_space<semaphore_mem>>)
      %dma_wait3A_214 = arith.constant 0 : i32
      %dma_wait3A_215 = arith.constant 0 : i32
      %dma_wait3A_216 = tpu.memref_slice %arg17[%dma_wait3A_214, %dma_wait3A_215] : memref<128x16xf32, #tpu.memory_space<vmem>> -> memref<128x16xf32, #tpu.memory_space<vmem>>
      %dma_wait3A_217 = arith.constant 0 : i32
      %dma_wait3A_218 = tpu.memref_slice %arg7[%add3A_18, %dma_wait3A_217] : memref<10240x16xf32, #tpu.memory_space<vmem_shared>> -> memref<128x16xf32, #tpu.memory_space<vmem_shared>>
      %dma_wait3A_219 = arith.constant 0 : i32
      %dma_wait3A_220 = tpu.memref_slice %arg7[%add3A_18, %dma_wait3A_219] : memref<10240x16xf32, #tpu.memory_space<vmem_shared>> -> memref<128x16xf32, #tpu.memory_space<vmem_shared>>
      %dma_wait3A_221 = arith.constant 0 : i32
      %dma_wait3A_222 = arith.constant 0 : i32
      %dma_wait3A_223 = tpu.memref_slice %arg17[%dma_wait3A_221, %dma_wait3A_222] : memref<128x16xf32, #tpu.memory_space<vmem>> -> memref<128x16xf32, #tpu.memory_space<vmem>>
      tpu.wait_dma2 semaphore(%run_scoped3A : memref<!tpu.dma_semaphore, #tpu.memory_space<semaphore_mem>>) src(%dma_wait3A_223 : memref<128x16xf32, #tpu.memory_space<vmem>>) dst(%dma_wait3A_220 : memref<128x16xf32, #tpu.memory_space<vmem_shared>>)
      tpu.yield
    }) : () -> ()
    %add3A_19 = arith.constant 256 : i32
    %add3A_20 = arith.addi %mul3A_11, %add3A_19 : i32
    "tpu.region"() ({
      %run_scoped3A = tpu.sem_alloc : memref<!tpu.dma_semaphore, #tpu.memory_space<semaphore_mem>>
      %dma_start3A_204 = arith.constant 0 : i32
      %dma_start3A_205 = arith.constant 0 : i32
      %dma_start3A_206 = tpu.memref_slice %arg14[%dma_start3A_204, %dma_start3A_205] : memref<128x128xbf16, #tpu.memory_space<vmem>> -> memref<128x128xbf16, #tpu.memory_space<vmem>>
      %dma_start3A_207 = arith.constant 0 : i32
      %dma_start3A_208 = tpu.memref_slice %arg6[%add3A_20, %dma_start3A_207] : memref<10240x128xbf16, #tpu.memory_space<vmem_shared>> -> memref<128x128xbf16, #tpu.memory_space<vmem_shared>>
      %dma_start3A_209 = arith.constant 0 : i32
      %dma_start3A_210 = tpu.memref_slice %arg6[%add3A_20, %dma_start3A_209] : memref<10240x128xbf16, #tpu.memory_space<vmem_shared>> -> memref<128x128xbf16, #tpu.memory_space<vmem_shared>>
      %dma_start3A_211 = arith.constant 0 : i32
      %dma_start3A_212 = arith.constant 0 : i32
      %dma_start3A_213 = tpu.memref_slice %arg14[%dma_start3A_211, %dma_start3A_212] : memref<128x128xbf16, #tpu.memory_space<vmem>> -> memref<128x128xbf16, #tpu.memory_space<vmem>>
      tpu.enqueue_dma source(%dma_start3A_213 : memref<128x128xbf16, #tpu.memory_space<vmem>>) target(%dma_start3A_210 : memref<128x128xbf16, #tpu.memory_space<vmem_shared>>) target_semaphore(%run_scoped3A : memref<!tpu.dma_semaphore, #tpu.memory_space<semaphore_mem>>)
      %dma_wait3A_214 = arith.constant 0 : i32
      %dma_wait3A_215 = arith.constant 0 : i32
      %dma_wait3A_216 = tpu.memref_slice %arg14[%dma_wait3A_214, %dma_wait3A_215] : memref<128x128xbf16, #tpu.memory_space<vmem>> -> memref<128x128xbf16, #tpu.memory_space<vmem>>
      %dma_wait3A_217 = arith.constant 0 : i32
      %dma_wait3A_218 = tpu.memref_slice %arg6[%add3A_20, %dma_wait3A_217] : memref<10240x128xbf16, #tpu.memory_space<vmem_shared>> -> memref<128x128xbf16, #tpu.memory_space<vmem_shared>>
      %dma_wait3A_219 = arith.constant 0 : i32
      %dma_wait3A_220 = tpu.memref_slice %arg6[%add3A_20, %dma_wait3A_219] : memref<10240x128xbf16, #tpu.memory_space<vmem_shared>> -> memref<128x128xbf16, #tpu.memory_space<vmem_shared>>
      %dma_wait3A_221 = arith.constant 0 : i32
      %dma_wait3A_222 = arith.constant 0 : i32
      %dma_wait3A_223 = tpu.memref_slice %arg14[%dma_wait3A_221, %dma_wait3A_222] : memref<128x128xbf16, #tpu.memory_space<vmem>> -> memref<128x128xbf16, #tpu.memory_space<vmem>>
      tpu.wait_dma2 semaphore(%run_scoped3A : memref<!tpu.dma_semaphore, #tpu.memory_space<semaphore_mem>>) src(%dma_wait3A_223 : memref<128x128xbf16, #tpu.memory_space<vmem>>) dst(%dma_wait3A_220 : memref<128x128xbf16, #tpu.memory_space<vmem_shared>>)
      tpu.yield
    }) : () -> ()
    %add3A_21 = arith.constant 256 : i32
    %add3A_22 = arith.addi %mul3A_11, %add3A_21 : i32
    "tpu.region"() ({
      %run_scoped3A = tpu.sem_alloc : memref<!tpu.dma_semaphore, #tpu.memory_space<semaphore_mem>>
      %dma_start3A_204 = arith.constant 0 : i32
      %dma_start3A_205 = arith.constant 0 : i32
      %dma_start3A_206 = tpu.memref_slice %arg17[%dma_start3A_204, %dma_start3A_205] : memref<128x16xf32, #tpu.memory_space<vmem>> -> memref<128x16xf32, #tpu.memory_space<vmem>>
      %dma_start3A_207 = arith.constant 0 : i32
      %dma_start3A_208 = tpu.memref_slice %arg7[%add3A_22, %dma_start3A_207] : memref<10240x16xf32, #tpu.memory_space<vmem_shared>> -> memref<128x16xf32, #tpu.memory_space<vmem_shared>>
      %dma_start3A_209 = arith.constant 0 : i32
      %dma_start3A_210 = tpu.memref_slice %arg7[%add3A_22, %dma_start3A_209] : memref<10240x16xf32, #tpu.memory_space<vmem_shared>> -> memref<128x16xf32, #tpu.memory_space<vmem_shared>>
      %dma_start3A_211 = arith.constant 0 : i32
      %dma_start3A_212 = arith.constant 0 : i32
      %dma_start3A_213 = tpu.memref_slice %arg17[%dma_start3A_211, %dma_start3A_212] : memref<128x16xf32, #tpu.memory_space<vmem>> -> memref<128x16xf32, #tpu.memory_space<vmem>>
      tpu.enqueue_dma source(%dma_start3A_213 : memref<128x16xf32, #tpu.memory_space<vmem>>) target(%dma_start3A_210 : memref<128x16xf32, #tpu.memory_space<vmem_shared>>) target_semaphore(%run_scoped3A : memref<!tpu.dma_semaphore, #tpu.memory_space<semaphore_mem>>)
      %dma_wait3A_214 = arith.constant 0 : i32
      %dma_wait3A_215 = arith.constant 0 : i32
      %dma_wait3A_216 = tpu.memref_slice %arg17[%dma_wait3A_214, %dma_wait3A_215] : memref<128x16xf32, #tpu.memory_space<vmem>> -> memref<128x16xf32, #tpu.memory_space<vmem>>
      %dma_wait3A_217 = arith.constant 0 : i32
      %dma_wait3A_218 = tpu.memref_slice %arg7[%add3A_22, %dma_wait3A_217] : memref<10240x16xf32, #tpu.memory_space<vmem_shared>> -> memref<128x16xf32, #tpu.memory_space<vmem_shared>>
      %dma_wait3A_219 = arith.constant 0 : i32
      %dma_wait3A_220 = tpu.memref_slice %arg7[%add3A_22, %dma_wait3A_219] : memref<10240x16xf32, #tpu.memory_space<vmem_shared>> -> memref<128x16xf32, #tpu.memory_space<vmem_shared>>
      %dma_wait3A_221 = arith.constant 0 : i32
      %dma_wait3A_222 = arith.constant 0 : i32
      %dma_wait3A_223 = tpu.memref_slice %arg17[%dma_wait3A_221, %dma_wait3A_222] : memref<128x16xf32, #tpu.memory_space<vmem>> -> memref<128x16xf32, #tpu.memory_space<vmem>>
      tpu.wait_dma2 semaphore(%run_scoped3A : memref<!tpu.dma_semaphore, #tpu.memory_space<semaphore_mem>>) src(%dma_wait3A_223 : memref<128x16xf32, #tpu.memory_space<vmem>>) dst(%dma_wait3A_220 : memref<128x16xf32, #tpu.memory_space<vmem_shared>>)
      tpu.yield
    }) : () -> ()
    %add3A_23 = arith.constant 384 : i32
    %add3A_24 = arith.addi %mul3A_11, %add3A_23 : i32
    "tpu.region"() ({
      %run_scoped3A = tpu.sem_alloc : memref<!tpu.dma_semaphore, #tpu.memory_space<semaphore_mem>>
      %dma_start3A_204 = arith.constant 0 : i32
      %dma_start3A_205 = arith.constant 0 : i32
      %dma_start3A_206 = tpu.memref_slice %arg14[%dma_start3A_204, %dma_start3A_205] : memref<128x128xbf16, #tpu.memory_space<vmem>> -> memref<128x128xbf16, #tpu.memory_space<vmem>>
      %dma_start3A_207 = arith.constant 0 : i32
      %dma_start3A_208 = tpu.memref_slice %arg6[%add3A_24, %dma_start3A_207] : memref<10240x128xbf16, #tpu.memory_space<vmem_shared>> -> memref<128x128xbf16, #tpu.memory_space<vmem_shared>>
      %dma_start3A_209 = arith.constant 0 : i32
      %dma_start3A_210 = tpu.memref_slice %arg6[%add3A_24, %dma_start3A_209] : memref<10240x128xbf16, #tpu.memory_space<vmem_shared>> -> memref<128x128xbf16, #tpu.memory_space<vmem_shared>>
      %dma_start3A_211 = arith.constant 0 : i32
      %dma_start3A_212 = arith.constant 0 : i32
      %dma_start3A_213 = tpu.memref_slice %arg14[%dma_start3A_211, %dma_start3A_212] : memref<128x128xbf16, #tpu.memory_space<vmem>> -> memref<128x128xbf16, #tpu.memory_space<vmem>>
      tpu.enqueue_dma source(%dma_start3A_213 : memref<128x128xbf16, #tpu.memory_space<vmem>>) target(%dma_start3A_210 : memref<128x128xbf16, #tpu.memory_space<vmem_shared>>) target_semaphore(%run_scoped3A : memref<!tpu.dma_semaphore, #tpu.memory_space<semaphore_mem>>)
      %dma_wait3A_214 = arith.constant 0 : i32
      %dma_wait3A_215 = arith.constant 0 : i32
      %dma_wait3A_216 = tpu.memref_slice %arg14[%dma_wait3A_214, %dma_wait3A_215] : memref<128x128xbf16, #tpu.memory_space<vmem>> -> memref<128x128xbf16, #tpu.memory_space<vmem>>
      %dma_wait3A_217 = arith.constant 0 : i32
      %dma_wait3A_218 = tpu.memref_slice %arg6[%add3A_24, %dma_wait3A_217] : memref<10240x128xbf16, #tpu.memory_space<vmem_shared>> -> memref<128x128xbf16, #tpu.memory_space<vmem_shared>>
      %dma_wait3A_219 = arith.constant 0 : i32
      %dma_wait3A_220 = tpu.memref_slice %arg6[%add3A_24, %dma_wait3A_219] : memref<10240x128xbf16, #tpu.memory_space<vmem_shared>> -> memref<128x128xbf16, #tpu.memory_space<vmem_shared>>
      %dma_wait3A_221 = arith.constant 0 : i32
      %dma_wait3A_222 = arith.constant 0 : i32
      %dma_wait3A_223 = tpu.memref_slice %arg14[%dma_wait3A_221, %dma_wait3A_222] : memref<128x128xbf16, #tpu.memory_space<vmem>> -> memref<128x128xbf16, #tpu.memory_space<vmem>>
      tpu.wait_dma2 semaphore(%run_scoped3A : memref<!tpu.dma_semaphore, #tpu.memory_space<semaphore_mem>>) src(%dma_wait3A_223 : memref<128x128xbf16, #tpu.memory_space<vmem>>) dst(%dma_wait3A_220 : memref<128x128xbf16, #tpu.memory_space<vmem_shared>>)
      tpu.yield
    }) : () -> ()
    %add3A_25 = arith.constant 384 : i32
    %add3A_26 = arith.addi %mul3A_11, %add3A_25 : i32
    "tpu.region"() ({
      %run_scoped3A = tpu.sem_alloc : memref<!tpu.dma_semaphore, #tpu.memory_space<semaphore_mem>>
      %dma_start3A_204 = arith.constant 0 : i32
      %dma_start3A_205 = arith.constant 0 : i32
      %dma_start3A_206 = tpu.memref_slice %arg17[%dma_start3A_204, %dma_start3A_205] : memref<128x16xf32, #tpu.memory_space<vmem>> -> memref<128x16xf32, #tpu.memory_space<vmem>>
      %dma_start3A_207 = arith.constant 0 : i32
      %dma_start3A_208 = tpu.memref_slice %arg7[%add3A_26, %dma_start3A_207] : memref<10240x16xf32, #tpu.memory_space<vmem_shared>> -> memref<128x16xf32, #tpu.memory_space<vmem_shared>>
      %dma_start3A_209 = arith.constant 0 : i32
      %dma_start3A_210 = tpu.memref_slice %arg7[%add3A_26, %dma_start3A_209] : memref<10240x16xf32, #tpu.memory_space<vmem_shared>> -> memref<128x16xf32, #tpu.memory_space<vmem_shared>>
      %dma_start3A_211 = arith.constant 0 : i32
      %dma_start3A_212 = arith.constant 0 : i32
      %dma_start3A_213 = tpu.memref_slice %arg17[%dma_start3A_211, %dma_start3A_212] : memref<128x16xf32, #tpu.memory_space<vmem>> -> memref<128x16xf32, #tpu.memory_space<vmem>>
      tpu.enqueue_dma source(%dma_start3A_213 : memref<128x16xf32, #tpu.memory_space<vmem>>) target(%dma_start3A_210 : memref<128x16xf32, #tpu.memory_space<vmem_shared>>) target_semaphore(%run_scoped3A : memref<!tpu.dma_semaphore, #tpu.memory_space<semaphore_mem>>)
      %dma_wait3A_214 = arith.constant 0 : i32
      %dma_wait3A_215 = arith.constant 0 : i32
      %dma_wait3A_216 = tpu.memref_slice %arg17[%dma_wait3A_214, %dma_wait3A_215] : memref<128x16xf32, #tpu.memory_space<vmem>> -> memref<128x16xf32, #tpu.memory_space<vmem>>
      %dma_wait3A_217 = arith.constant 0 : i32
      %dma_wait3A_218 = tpu.memref_slice %arg7[%add3A_26, %dma_wait3A_217] : memref<10240x16xf32, #tpu.memory_space<vmem_shared>> -> memref<128x16xf32, #tpu.memory_space<vmem_shared>>
      %dma_wait3A_219 = arith.constant 0 : i32
      %dma_wait3A_220 = tpu.memref_slice %arg7[%add3A_26, %dma_wait3A_219] : memref<10240x16xf32, #tpu.memory_space<vmem_shared>> -> memref<128x16xf32, #tpu.memory_space<vmem_shared>>
      %dma_wait3A_221 = arith.constant 0 : i32
      %dma_wait3A_222 = arith.constant 0 : i32
      %dma_wait3A_223 = tpu.memref_slice %arg17[%dma_wait3A_221, %dma_wait3A_222] : memref<128x16xf32, #tpu.memory_space<vmem>> -> memref<128x16xf32, #tpu.memory_space<vmem>>
      tpu.wait_dma2 semaphore(%run_scoped3A : memref<!tpu.dma_semaphore, #tpu.memory_space<semaphore_mem>>) src(%dma_wait3A_223 : memref<128x16xf32, #tpu.memory_space<vmem>>) dst(%dma_wait3A_220 : memref<128x16xf32, #tpu.memory_space<vmem_shared>>)
      tpu.yield
    }) : () -> ()
    %add3A_27 = arith.constant 512 : i32
    %add3A_28 = arith.addi %mul3A_11, %add3A_27 : i32
    "tpu.region"() ({
      %run_scoped3A = tpu.sem_alloc : memref<!tpu.dma_semaphore, #tpu.memory_space<semaphore_mem>>
      %dma_start3A_204 = arith.constant 0 : i32
      %dma_start3A_205 = arith.constant 0 : i32
      %dma_start3A_206 = tpu.memref_slice %arg14[%dma_start3A_204, %dma_start3A_205] : memref<128x128xbf16, #tpu.memory_space<vmem>> -> memref<128x128xbf16, #tpu.memory_space<vmem>>
      %dma_start3A_207 = arith.constant 0 : i32
      %dma_start3A_208 = tpu.memref_slice %arg6[%add3A_28, %dma_start3A_207] : memref<10240x128xbf16, #tpu.memory_space<vmem_shared>> -> memref<128x128xbf16, #tpu.memory_space<vmem_shared>>
      %dma_start3A_209 = arith.constant 0 : i32
      %dma_start3A_210 = tpu.memref_slice %arg6[%add3A_28, %dma_start3A_209] : memref<10240x128xbf16, #tpu.memory_space<vmem_shared>> -> memref<128x128xbf16, #tpu.memory_space<vmem_shared>>
      %dma_start3A_211 = arith.constant 0 : i32
      %dma_start3A_212 = arith.constant 0 : i32
      %dma_start3A_213 = tpu.memref_slice %arg14[%dma_start3A_211, %dma_start3A_212] : memref<128x128xbf16, #tpu.memory_space<vmem>> -> memref<128x128xbf16, #tpu.memory_space<vmem>>
      tpu.enqueue_dma source(%dma_start3A_213 : memref<128x128xbf16, #tpu.memory_space<vmem>>) target(%dma_start3A_210 : memref<128x128xbf16, #tpu.memory_space<vmem_shared>>) target_semaphore(%run_scoped3A : memref<!tpu.dma_semaphore, #tpu.memory_space<semaphore_mem>>)
      %dma_wait3A_214 = arith.constant 0 : i32
      %dma_wait3A_215 = arith.constant 0 : i32
      %dma_wait3A_216 = tpu.memref_slice %arg14[%dma_wait3A_214, %dma_wait3A_215] : memref<128x128xbf16, #tpu.memory_space<vmem>> -> memref<128x128xbf16, #tpu.memory_space<vmem>>
      %dma_wait3A_217 = arith.constant 0 : i32
      %dma_wait3A_218 = tpu.memref_slice %arg6[%add3A_28, %dma_wait3A_217] : memref<10240x128xbf16, #tpu.memory_space<vmem_shared>> -> memref<128x128xbf16, #tpu.memory_space<vmem_shared>>
      %dma_wait3A_219 = arith.constant 0 : i32
      %dma_wait3A_220 = tpu.memref_slice %arg6[%add3A_28, %dma_wait3A_219] : memref<10240x128xbf16, #tpu.memory_space<vmem_shared>> -> memref<128x128xbf16, #tpu.memory_space<vmem_shared>>
      %dma_wait3A_221 = arith.constant 0 : i32
      %dma_wait3A_222 = arith.constant 0 : i32
      %dma_wait3A_223 = tpu.memref_slice %arg14[%dma_wait3A_221, %dma_wait3A_222] : memref<128x128xbf16, #tpu.memory_space<vmem>> -> memref<128x128xbf16, #tpu.memory_space<vmem>>
      tpu.wait_dma2 semaphore(%run_scoped3A : memref<!tpu.dma_semaphore, #tpu.memory_space<semaphore_mem>>) src(%dma_wait3A_223 : memref<128x128xbf16, #tpu.memory_space<vmem>>) dst(%dma_wait3A_220 : memref<128x128xbf16, #tpu.memory_space<vmem_shared>>)
      tpu.yield
    }) : () -> ()
    %add3A_29 = arith.constant 512 : i32
    %add3A_30 = arith.addi %mul3A_11, %add3A_29 : i32
    "tpu.region"() ({
      %run_scoped3A = tpu.sem_alloc : memref<!tpu.dma_semaphore, #tpu.memory_space<semaphore_mem>>
      %dma_start3A_204 = arith.constant 0 : i32
      %dma_start3A_205 = arith.constant 0 : i32
      %dma_start3A_206 = tpu.memref_slice %arg17[%dma_start3A_204, %dma_start3A_205] : memref<128x16xf32, #tpu.memory_space<vmem>> -> memref<128x16xf32, #tpu.memory_space<vmem>>
      %dma_start3A_207 = arith.constant 0 : i32
      %dma_start3A_208 = tpu.memref_slice %arg7[%add3A_30, %dma_start3A_207] : memref<10240x16xf32, #tpu.memory_space<vmem_shared>> -> memref<128x16xf32, #tpu.memory_space<vmem_shared>>
      %dma_start3A_209 = arith.constant 0 : i32
      %dma_start3A_210 = tpu.memref_slice %arg7[%add3A_30, %dma_start3A_209] : memref<10240x16xf32, #tpu.memory_space<vmem_shared>> -> memref<128x16xf32, #tpu.memory_space<vmem_shared>>
      %dma_start3A_211 = arith.constant 0 : i32
      %dma_start3A_212 = arith.constant 0 : i32
      %dma_start3A_213 = tpu.memref_slice %arg17[%dma_start3A_211, %dma_start3A_212] : memref<128x16xf32, #tpu.memory_space<vmem>> -> memref<128x16xf32, #tpu.memory_space<vmem>>
      tpu.enqueue_dma source(%dma_start3A_213 : memref<128x16xf32, #tpu.memory_space<vmem>>) target(%dma_start3A_210 : memref<128x16xf32, #tpu.memory_space<vmem_shared>>) target_semaphore(%run_scoped3A : memref<!tpu.dma_semaphore, #tpu.memory_space<semaphore_mem>>)
      %dma_wait3A_214 = arith.constant 0 : i32
      %dma_wait3A_215 = arith.constant 0 : i32
      %dma_wait3A_216 = tpu.memref_slice %arg17[%dma_wait3A_214, %dma_wait3A_215] : memref<128x16xf32, #tpu.memory_space<vmem>> -> memref<128x16xf32, #tpu.memory_space<vmem>>
      %dma_wait3A_217 = arith.constant 0 : i32
      %dma_wait3A_218 = tpu.memref_slice %arg7[%add3A_30, %dma_wait3A_217] : memref<10240x16xf32, #tpu.memory_space<vmem_shared>> -> memref<128x16xf32, #tpu.memory_space<vmem_shared>>
      %dma_wait3A_219 = arith.constant 0 : i32
      %dma_wait3A_220 = tpu.memref_slice %arg7[%add3A_30, %dma_wait3A_219] : memref<10240x16xf32, #tpu.memory_space<vmem_shared>> -> memref<128x16xf32, #tpu.memory_space<vmem_shared>>
      %dma_wait3A_221 = arith.constant 0 : i32
      %dma_wait3A_222 = arith.constant 0 : i32
      %dma_wait3A_223 = tpu.memref_slice %arg17[%dma_wait3A_221, %dma_wait3A_222] : memref<128x16xf32, #tpu.memory_space<vmem>> -> memref<128x16xf32, #tpu.memory_space<vmem>>
      tpu.wait_dma2 semaphore(%run_scoped3A : memref<!tpu.dma_semaphore, #tpu.memory_space<semaphore_mem>>) src(%dma_wait3A_223 : memref<128x16xf32, #tpu.memory_space<vmem>>) dst(%dma_wait3A_220 : memref<128x16xf32, #tpu.memory_space<vmem_shared>>)
      tpu.yield
    }) : () -> ()
    %barrier3A = arith.constant 0 : index
    tpu.barrier barrier_id(%barrier3A)
    %mul3A_31 = arith.constant 80 : i32
    %mul3A_32 = arith.muli %arg1, %mul3A_31 : i32
    %mul3A_33 = arith.constant 2 : i32
    %mul3A_34 = arith.muli %mul3A_32, %mul3A_33 : i32
    %mul3A_35 = arith.constant 128 : i32
    %mul3A_36 = arith.muli %mul3A_34, %mul3A_35 : i32
    %add3A_37 = arith.constant 0 : i32
    %add3A_38 = arith.addi %mul3A_36, %add3A_37 : i32
    %dma_start3A = tpu.memref_slice %arg3[%add3A_38] : memref<327680xi32, #tpu.memory_space<hbm>> -> memref<256xi32, #tpu.memory_space<hbm>>
    %dma_start3A_39 = tpu.memref_slice %arg3[%add3A_38] : memref<327680xi32, #tpu.memory_space<hbm>> -> memref<256xi32, #tpu.memory_space<hbm>>
    tpu.enqueue_dma source(%dma_start3A_39 : memref<256xi32, #tpu.memory_space<hbm>>) target(%arg8 : memref<256xi32, #tpu.memory_space<vmem>>) target_semaphore(%arg20 : memref<!tpu.dma_semaphore, #tpu.memory_space<semaphore_mem>>)
    %dma_wait3A = tpu.memref_slice %arg3[%mul3A_36] : memref<327680xi32, #tpu.memory_space<hbm>> -> memref<256xi32, #tpu.memory_space<hbm>>
    %dma_wait3A_40 = tpu.memref_slice %arg3[%mul3A_36] : memref<327680xi32, #tpu.memory_space<hbm>> -> memref<256xi32, #tpu.memory_space<hbm>>
    tpu.wait_dma2 semaphore(%arg20 : memref<!tpu.dma_semaphore, #tpu.memory_space<semaphore_mem>>) src(%dma_wait3A_40 : memref<256xi32, #tpu.memory_space<hbm>>) dst(%arg8 : memref<256xi32, #tpu.memory_space<vmem>>)
    %get3A = arith.constant 0 : index
    %get3A_41 = tpu.vector_load %arg8[%get3A] {strides = array<i32>} : memref<256xi32, #tpu.memory_space<vmem>>, vector<16xi32>,
    %get3A_42 = vector.shape_cast %get3A_41 : vector<16xi32> to vector<16xi32>
    %add3A_43 = arith.addi %get3A_42, %get3A_42 : vector<16xi32>
    %add3A_44 = vector.broadcast %arg0 : i32 to vector<16xi32>
    %add3A_45 = arith.addi %add3A_43, %add3A_44 : vector<16xi32>
    %swap3A = arith.constant 0 : index
    %swap3A_46 = tpu.vector_load %arg12[%swap3A] {strides = array<i32>} : memref<128xi32, #tpu.memory_space<vmem>>, vector<16xi32>,
    %swap3A_47 = vector.shape_cast %swap3A_46 : vector<16xi32> to vector<16xi32>
    %swap3A_48 = vector.shape_cast %add3A_45 : vector<16xi32> to vector<16xi32>
    tpu.vector_store %arg12[%swap3A], %swap3A_48 {strides = array<i32>} : memref<128xi32, #tpu.memory_space<vmem>>, vector<16xi32>,
    %get3A_49 = arith.constant 128 : index
    %get3A_50 = tpu.vector_load %arg8[%get3A_49] {strides = array<i32>} : memref<256xi32, #tpu.memory_space<vmem>>, vector<16xi32>,
    %get3A_51 = vector.shape_cast %get3A_50 : vector<16xi32> to vector<16xi32>
    %swap3A_52 = arith.constant 0 : index
    %swap3A_53 = tpu.vector_load %arg10[%swap3A_52] {strides = array<i32>} : memref<128xi32, #tpu.memory_space<vmem>>, vector<16xi32>,
    %swap3A_54 = vector.shape_cast %swap3A_53 : vector<16xi32> to vector<16xi32>
    %swap3A_55 = vector.shape_cast %get3A_51 : vector<16xi32> to vector<16xi32>
    tpu.vector_store %arg10[%swap3A_52], %swap3A_55 {strides = array<i32>} : memref<128xi32, #tpu.memory_space<vmem>>, vector<16xi32>,
    %get3A_56 = arith.constant 16 : index
    %get3A_57 = tpu.vector_load %arg8[%get3A_56] {strides = array<i32>} : memref<256xi32, #tpu.memory_space<vmem>>, vector<16xi32>,
    %get3A_58 = vector.shape_cast %get3A_57 : vector<16xi32> to vector<16xi32>
    %add3A_59 = arith.addi %get3A_58, %get3A_58 : vector<16xi32>
    %add3A_60 = vector.broadcast %arg0 : i32 to vector<16xi32>
    %add3A_61 = arith.addi %add3A_59, %add3A_60 : vector<16xi32>
    %swap3A_62 = arith.constant 16 : index
    %swap3A_63 = tpu.vector_load %arg12[%swap3A_62] {strides = array<i32>} : memref<128xi32, #tpu.memory_space<vmem>>, vector<16xi32>,
    %swap3A_64 = vector.shape_cast %swap3A_63 : vector<16xi32> to vector<16xi32>
    %swap3A_65 = vector.shape_cast %add3A_61 : vector<16xi32> to vector<16xi32>
    tpu.vector_store %arg12[%swap3A_62], %swap3A_65 {strides = array<i32>} : memref<128xi32, #tpu.memory_space<vmem>>, vector<16xi32>,
    %get3A_66 = arith.constant 144 : index
    %get3A_67 = tpu.vector_load %arg8[%get3A_66] {strides = array<i32>} : memref<256xi32, #tpu.memory_space<vmem>>, vector<16xi32>,
    %get3A_68 = vector.shape_cast %get3A_67 : vector<16xi32> to vector<16xi32>
    %swap3A_69 = arith.constant 16 : index
    %swap3A_70 = tpu.vector_load %arg10[%swap3A_69] {strides = array<i32>} : memref<128xi32, #tpu.memory_space<vmem>>, vector<16xi32>,
    %swap3A_71 = vector.shape_cast %swap3A_70 : vector<16xi32> to vector<16xi32>
    %swap3A_72 = vector.shape_cast %get3A_68 : vector<16xi32> to vector<16xi32>
    tpu.vector_store %arg10[%swap3A_69], %swap3A_72 {strides = array<i32>} : memref<128xi32, #tpu.memory_space<vmem>>, vector<16xi32>,
    %get3A_73 = arith.constant 32 : index
    %get3A_74 = tpu.vector_load %arg8[%get3A_73] {strides = array<i32>} : memref<256xi32, #tpu.memory_space<vmem>>, vector<16xi32>,
    %get3A_75 = vector.shape_cast %get3A_74 : vector<16xi32> to vector<16xi32>
    %add3A_76 = arith.addi %get3A_75, %get3A_75 : vector<16xi32>
    %add3A_77 = vector.broadcast %arg0 : i32 to vector<16xi32>
    %add3A_78 = arith.addi %add3A_76, %add3A_77 : vector<16xi32>
    %swap3A_79 = arith.constant 32 : index
    %swap3A_80 = tpu.vector_load %arg12[%swap3A_79] {strides = array<i32>} : memref<128xi32, #tpu.memory_space<vmem>>, vector<16xi32>,
    %swap3A_81 = vector.shape_cast %swap3A_80 : vector<16xi32> to vector<16xi32>
    %swap3A_82 = vector.shape_cast %add3A_78 : vector<16xi32> to vector<16xi32>
    tpu.vector_store %arg12[%swap3A_79], %swap3A_82 {strides = array<i32>} : memref<128xi32, #tpu.memory_space<vmem>>, vector<16xi32>,
    %get3A_83 = arith.constant 160 : index
    %get3A_84 = tpu.vector_load %arg8[%get3A_83] {strides = array<i32>} : memref<256xi32, #tpu.memory_space<vmem>>, vector<16xi32>,
    %get3A_85 = vector.shape_cast %get3A_84 : vector<16xi32> to vector<16xi32>
    %swap3A_86 = arith.constant 32 : index
    %swap3A_87 = tpu.vector_load %arg10[%swap3A_86] {strides = array<i32>} : memref<128xi32, #tpu.memory_space<vmem>>, vector<16xi32>,
    %swap3A_88 = vector.shape_cast %swap3A_87 : vector<16xi32> to vector<16xi32>
    %swap3A_89 = vector.shape_cast %get3A_85 : vector<16xi32> to vector<16xi32>
    tpu.vector_store %arg10[%swap3A_86], %swap3A_89 {strides = array<i32>} : memref<128xi32, #tpu.memory_space<vmem>>, vector<16xi32>,
    %get3A_90 = arith.constant 48 : index
    %get3A_91 = tpu.vector_load %arg8[%get3A_90] {strides = array<i32>} : memref<256xi32, #tpu.memory_space<vmem>>, vector<16xi32>,
    %get3A_92 = vector.shape_cast %get3A_91 : vector<16xi32> to vector<16xi32>
    %add3A_93 = arith.addi %get3A_92, %get3A_92 : vector<16xi32>
    %add3A_94 = vector.broadcast %arg0 : i32 to vector<16xi32>
    %add3A_95 = arith.addi %add3A_93, %add3A_94 : vector<16xi32>
    %swap3A_96 = arith.constant 48 : index
    %swap3A_97 = tpu.vector_load %arg12[%swap3A_96] {strides = array<i32>} : memref<128xi32, #tpu.memory_space<vmem>>, vector<16xi32>,
    %swap3A_98 = vector.shape_cast %swap3A_97 : vector<16xi32> to vector<16xi32>
    %swap3A_99 = vector.shape_cast %add3A_95 : vector<16xi32> to vector<16xi32>
    tpu.vector_store %arg12[%swap3A_96], %swap3A_99 {strides = array<i32>} : memref<128xi32, #tpu.memory_space<vmem>>, vector<16xi32>,
    %get3A_100 = arith.constant 176 : index
    %get3A_101 = tpu.vector_load %arg8[%get3A_100] {strides = array<i32>} : memref<256xi32, #tpu.memory_space<vmem>>, vector<16xi32>,
    %get3A_102 = vector.shape_cast %get3A_101 : vector<16xi32> to vector<16xi32>
    %swap3A_103 = arith.constant 48 : index
    %swap3A_104 = tpu.vector_load %arg10[%swap3A_103] {strides = array<i32>} : memref<128xi32, #tpu.memory_space<vmem>>, vector<16xi32>,
    %swap3A_105 = vector.shape_cast %swap3A_104 : vector<16xi32> to vector<16xi32>
    %swap3A_106 = vector.shape_cast %get3A_102 : vector<16xi32> to vector<16xi32>
    tpu.vector_store %arg10[%swap3A_103], %swap3A_106 {strides = array<i32>} : memref<128xi32, #tpu.memory_space<vmem>>, vector<16xi32>,
    %get3A_107 = arith.constant 64 : index
    %get3A_108 = tpu.vector_load %arg8[%get3A_107] {strides = array<i32>} : memref<256xi32, #tpu.memory_space<vmem>>, vector<16xi32>,
    %get3A_109 = vector.shape_cast %get3A_108 : vector<16xi32> to vector<16xi32>
    %add3A_110 = arith.addi %get3A_109, %get3A_109 : vector<16xi32>
    %add3A_111 = vector.broadcast %arg0 : i32 to vector<16xi32>
    %add3A_112 = arith.addi %add3A_110, %add3A_111 : vector<16xi32>
    %swap3A_113 = arith.constant 64 : index
    %swap3A_114 = tpu.vector_load %arg12[%swap3A_113] {strides = array<i32>} : memref<128xi32, #tpu.memory_space<vmem>>, vector<16xi32>,
    %swap3A_115 = vector.shape_cast %swap3A_114 : vector<16xi32> to vector<16xi32>
    %swap3A_116 = vector.shape_cast %add3A_112 : vector<16xi32> to vector<16xi32>
    tpu.vector_store %arg12[%swap3A_113], %swap3A_116 {strides = array<i32>} : memref<128xi32, #tpu.memory_space<vmem>>, vector<16xi32>,
    %get3A_117 = arith.constant 192 : index
    %get3A_118 = tpu.vector_load %arg8[%get3A_117] {strides = array<i32>} : memref<256xi32, #tpu.memory_space<vmem>>, vector<16xi32>,
    %get3A_119 = vector.shape_cast %get3A_118 : vector<16xi32> to vector<16xi32>
    %swap3A_120 = arith.constant 64 : index
    %swap3A_121 = tpu.vector_load %arg10[%swap3A_120] {strides = array<i32>} : memref<128xi32, #tpu.memory_space<vmem>>, vector<16xi32>,
    %swap3A_122 = vector.shape_cast %swap3A_121 : vector<16xi32> to vector<16xi32>
    %swap3A_123 = vector.shape_cast %get3A_119 : vector<16xi32> to vector<16xi32>
    tpu.vector_store %arg10[%swap3A_120], %swap3A_123 {strides = array<i32>} : memref<128xi32, #tpu.memory_space<vmem>>, vector<16xi32>,
    %get3A_124 = arith.constant 80 : index
    %get3A_125 = tpu.vector_load %arg8[%get3A_124] {strides = array<i32>} : memref<256xi32, #tpu.memory_space<vmem>>, vector<16xi32>,
    %get3A_126 = vector.shape_cast %get3A_125 : vector<16xi32> to vector<16xi32>
    %add3A_127 = arith.addi %get3A_126, %get3A_126 : vector<16xi32>
    %add3A_128 = vector.broadcast %arg0 : i32 to vector<16xi32>
    %add3A_129 = arith.addi %add3A_127, %add3A_128 : vector<16xi32>
    %swap3A_130 = arith.constant 80 : index
    %swap3A_131 = tpu.vector_load %arg12[%swap3A_130] {strides = array<i32>} : memref<128xi32, #tpu.memory_space<vmem>>, vector<16xi32>,
    %swap3A_132 = vector.shape_cast %swap3A_131 : vector<16xi32> to vector<16xi32>
    %swap3A_133 = vector.shape_cast %add3A_129 : vector<16xi32> to vector<16xi32>
    tpu.vector_store %arg12[%swap3A_130], %swap3A_133 {strides = array<i32>} : memref<128xi32, #tpu.memory_space<vmem>>, vector<16xi32>,
    %get3A_134 = arith.constant 208 : index
    %get3A_135 = tpu.vector_load %arg8[%get3A_134] {strides = array<i32>} : memref<256xi32, #tpu.memory_space<vmem>>, vector<16xi32>,
    %get3A_136 = vector.shape_cast %get3A_135 : vector<16xi32> to vector<16xi32>
    %swap3A_137 = arith.constant 80 : index
    %swap3A_138 = tpu.vector_load %arg10[%swap3A_137] {strides = array<i32>} : memref<128xi32, #tpu.memory_space<vmem>>, vector<16xi32>,
    %swap3A_139 = vector.shape_cast %swap3A_138 : vector<16xi32> to vector<16xi32>
    %swap3A_140 = vector.shape_cast %get3A_136 : vector<16xi32> to vector<16xi32>
    tpu.vector_store %arg10[%swap3A_137], %swap3A_140 {strides = array<i32>} : memref<128xi32, #tpu.memory_space<vmem>>, vector<16xi32>,
    %get3A_141 = arith.constant 96 : index
    %get3A_142 = tpu.vector_load %arg8[%get3A_141] {strides = array<i32>} : memref<256xi32, #tpu.memory_space<vmem>>, vector<16xi32>,
    %get3A_143 = vector.shape_cast %get3A_142 : vector<16xi32> to vector<16xi32>
    %add3A_144 = arith.addi %get3A_143, %get3A_143 : vector<16xi32>
    %add3A_145 = vector.broadcast %arg0 : i32 to vector<16xi32>
    %add3A_146 = arith.addi %add3A_144, %add3A_145 : vector<16xi32>
    %swap3A_147 = arith.constant 96 : index
    %swap3A_148 = tpu.vector_load %arg12[%swap3A_147] {strides = array<i32>} : memref<128xi32, #tpu.memory_space<vmem>>, vector<16xi32>,
    %swap3A_149 = vector.shape_cast %swap3A_148 : vector<16xi32> to vector<16xi32>
    %swap3A_150 = vector.shape_cast %add3A_146 : vector<16xi32> to vector<16xi32>
    tpu.vector_store %arg12[%swap3A_147], %swap3A_150 {strides = array<i32>} : memref<128xi32, #tpu.memory_space<vmem>>, vector<16xi32>,
    %get3A_151 = arith.constant 224 : index
    %get3A_152 = tpu.vector_load %arg8[%get3A_151] {strides = array<i32>} : memref<256xi32, #tpu.memory_space<vmem>>, vector<16xi32>,
    %get3A_153 = vector.shape_cast %get3A_152 : vector<16xi32> to vector<16xi32>
    %swap3A_154 = arith.constant 96 : index
    %swap3A_155 = tpu.vector_load %arg10[%swap3A_154] {strides = array<i32>} : memref<128xi32, #tpu.memory_space<vmem>>, vector<16xi32>,
    %swap3A_156 = vector.shape_cast %swap3A_155 : vector<16xi32> to vector<16xi32>
    %swap3A_157 = vector.shape_cast %get3A_153 : vector<16xi32> to vector<16xi32>
    tpu.vector_store %arg10[%swap3A_154], %swap3A_157 {strides = array<i32>} : memref<128xi32, #tpu.memory_space<vmem>>, vector<16xi32>,
    %get3A_158 = arith.constant 112 : index
    %get3A_159 = tpu.vector_load %arg8[%get3A_158] {strides = array<i32>} : memref<256xi32, #tpu.memory_space<vmem>>, vector<16xi32>,
    %get3A_160 = vector.shape_cast %get3A_159 : vector<16xi32> to vector<16xi32>
    %add3A_161 = arith.addi %get3A_160, %get3A_160 : vector<16xi32>
    %add3A_162 = vector.broadcast %arg0 : i32 to vector<16xi32>
    %add3A_163 = arith.addi %add3A_161, %add3A_162 : vector<16xi32>
    %swap3A_164 = arith.constant 112 : index
    %swap3A_165 = tpu.vector_load %arg12[%swap3A_164] {strides = array<i32>} : memref<128xi32, #tpu.memory_space<vmem>>, vector<16xi32>,
    %swap3A_166 = vector.shape_cast %swap3A_165 : vector<16xi32> to vector<16xi32>
    %swap3A_167 = vector.shape_cast %add3A_163 : vector<16xi32> to vector<16xi32>
    tpu.vector_store %arg12[%swap3A_164], %swap3A_167 {strides = array<i32>} : memref<128xi32, #tpu.memory_space<vmem>>, vector<16xi32>,
    %get3A_168 = arith.constant 240 : index
    %get3A_169 = tpu.vector_load %arg8[%get3A_168] {strides = array<i32>} : memref<256xi32, #tpu.memory_space<vmem>>, vector<16xi32>,
    %get3A_170 = vector.shape_cast %get3A_169 : vector<16xi32> to vector<16xi32>
    %swap3A_171 = arith.constant 112 : index
    %swap3A_172 = tpu.vector_load %arg10[%swap3A_171] {strides = array<i32>} : memref<128xi32, #tpu.memory_space<vmem>>, vector<16xi32>,
    %swap3A_173 = vector.shape_cast %swap3A_172 : vector<16xi32> to vector<16xi32>
    %swap3A_174 = vector.shape_cast %get3A_170 : vector<16xi32> to vector<16xi32>
    tpu.vector_store %arg10[%swap3A_171], %swap3A_174 {strides = array<i32>} : memref<128xi32, #tpu.memory_space<vmem>>, vector<16xi32>,
    %dma_start3A_175 = arith.constant 0 : i32
    %dma_start3A_176 = arith.constant 0 : i32
    %dma_start3A_177 = tpu.memref_slice %arg2[%dma_start3A_175, %dma_start3A_176] : memref<20000x128xbf16, #tpu.memory_space<hbm>> -> memref<20000x128xbf16, #tpu.memory_space<hbm>>
    tpu.enqueue_indirect_dma source(%dma_start3A_177 : memref<20000x128xbf16, #tpu.memory_space<hbm>>) target(%arg14 : memref<128x128xbf16, #tpu.memory_space<vmem>>) offsets(%arg12 : memref<128xi32, #tpu.memory_space<vmem>>) semaphore(%arg18 : memref<!tpu.dma_semaphore, #tpu.memory_space<semaphore_mem>>)
    %add3A_178 = arith.constant 256 : i32
    %add3A_179 = arith.addi %mul3A_36, %add3A_178 : i32
    %dma_start3A_180 = tpu.memref_slice %arg3[%add3A_179] : memref<327680xi32, #tpu.memory_space<hbm>> -> memref<256xi32, #tpu.memory_space<hbm>>
    %dma_start3A_181 = tpu.memref_slice %arg3[%add3A_179] : memref<327680xi32, #tpu.memory_space<hbm>> -> memref<256xi32, #tpu.memory_space<hbm>>
    tpu.enqueue_dma source(%dma_start3A_181 : memref<256xi32, #tpu.memory_space<hbm>>) target(%arg9 : memref<256xi32, #tpu.memory_space<vmem>>) target_semaphore(%arg21 : memref<!tpu.dma_semaphore, #tpu.memory_space<semaphore_mem>>)
    %scan3A_182 = arith.constant 0 : i32
    %scan3A_183 = arith.constant 0 : i32
    %scan3A_184 = arith.constant 40 : i32
    %scan3A_185 = arith.addi %scan3A_183, %scan3A_184 : i32
    %scan3A_186 = arith.constant 1 : i32
    scf.for %scan3A_204 = %scan3A_183 to %scan3A_185 step %scan3A_186  : i32 {
      %mul3A_205 = arith.constant 2 : i32
      %mul3A_206 = arith.muli %mul3A_205, %scan3A_204 : i32
      %dma_wait3A_207 = tpu.memref_slice %arg3[%mul3A_36] : memref<327680xi32, #tpu.memory_space<hbm>> -> memref<256xi32, #tpu.memory_space<hbm>>
      %dma_wait3A_208 = tpu.memref_slice %arg3[%mul3A_36] : memref<327680xi32, #tpu.memory_space<hbm>> -> memref<256xi32, #tpu.memory_space<hbm>>
      tpu.wait_dma2 semaphore(%arg21 : memref<!tpu.dma_semaphore, #tpu.memory_space<semaphore_mem>>) src(%dma_wait3A_208 : memref<256xi32, #tpu.memory_space<hbm>>) dst(%arg9 : memref<256xi32, #tpu.memory_space<vmem>>)
      %gt3A = arith.constant 0 : i32
      %gt3A_209 = arith.cmpi sgt, %scan3A_204, %gt3A : i32
      %convert_element_type3A_210 = arith.extui %gt3A_209 : i1 to i32
      %cond3A_211 = arith.constant 0 : i32
      %cond3A_212 = arith.cmpi ne, %convert_element_type3A_210, %cond3A_211 : i32
      scf.if %cond3A_212 {
        %eq3A_388 = arith.constant 1 : i32
        %eq3A_389 = arith.cmpi eq, %arg0, %eq3A_388 : i32
        %convert_element_type3A_390 = arith.extui %eq3A_389 : i1 to i32
        %cond3A_391 = arith.constant 0 : i32
        %cond3A_392 = arith.cmpi ne, %convert_element_type3A_390, %cond3A_391 : i32
        scf.if %cond3A_392 {
          %dma_wait3A_396 = arith.constant 0 : i32
          %dma_wait3A_397 = arith.constant 0 : i32
          %dma_wait3A_398 = tpu.memref_slice %arg7[%dma_wait3A_396, %dma_wait3A_397] : memref<10240x16xf32, #tpu.memory_space<vmem_shared>> -> memref<10240x16xf32, #tpu.memory_space<vmem_shared>>
          tpu.wait_indirect_dma semaphore(%arg25 : memref<!tpu.dma_semaphore, #tpu.memory_space<semaphore_mem>>) src(%arg16 : memref<128x16xf32, #tpu.memory_space<vmem>>) dst(%dma_wait3A_398 : memref<10240x16xf32, #tpu.memory_space<vmem_shared>>)
        } else {
        }
        %dma_wait3A_393 = arith.constant 0 : i32
        %dma_wait3A_394 = arith.constant 0 : i32
        %dma_wait3A_395 = tpu.memref_slice %arg6[%dma_wait3A_393, %dma_wait3A_394] : memref<10240x128xbf16, #tpu.memory_space<vmem_shared>> -> memref<10240x128xbf16, #tpu.memory_space<vmem_shared>>
        tpu.wait_indirect_dma semaphore(%arg23 : memref<!tpu.dma_semaphore, #tpu.memory_space<semaphore_mem>>) src(%arg15 : memref<128x128xbf16, #tpu.memory_space<vmem>>) dst(%dma_wait3A_395 : memref<10240x128xbf16, #tpu.memory_space<vmem_shared>>)
      } else {
      }
      %get3A_213 = arith.constant 0 : index
      %get3A_214 = tpu.vector_load %arg9[%get3A_213] {strides = array<i32>} : memref<256xi32, #tpu.memory_space<vmem>>, vector<16xi32>,
      %get3A_215 = vector.shape_cast %get3A_214 : vector<16xi32> to vector<16xi32>
      %add3A_216 = arith.addi %get3A_215, %get3A_215 : vector<16xi32>
      %add3A_217 = vector.broadcast %arg0 : i32 to vector<16xi32>
      %add3A_218 = arith.addi %add3A_216, %add3A_217 : vector<16xi32>
      %swap3A_219 = arith.constant 0 : index
      %swap3A_220 = tpu.vector_load %arg13[%swap3A_219] {strides = array<i32>} : memref<128xi32, #tpu.memory_space<vmem>>, vector<16xi32>,
      %swap3A_221 = vector.shape_cast %swap3A_220 : vector<16xi32> to vector<16xi32>
      %swap3A_222 = vector.shape_cast %add3A_218 : vector<16xi32> to vector<16xi32>
      tpu.vector_store %arg13[%swap3A_219], %swap3A_222 {strides = array<i32>} : memref<128xi32, #tpu.memory_space<vmem>>, vector<16xi32>,
      %get3A_223 = arith.constant 128 : index
      %get3A_224 = tpu.vector_load %arg9[%get3A_223] {strides = array<i32>} : memref<256xi32, #tpu.memory_space<vmem>>, vector<16xi32>,
      %get3A_225 = vector.shape_cast %get3A_224 : vector<16xi32> to vector<16xi32>
      %swap3A_226 = arith.constant 0 : index
      %swap3A_227 = tpu.vector_load %arg11[%swap3A_226] {strides = array<i32>} : memref<128xi32, #tpu.memory_space<vmem>>, vector<16xi32>,
      %swap3A_228 = vector.shape_cast %swap3A_227 : vector<16xi32> to vector<16xi32>
      %swap3A_229 = vector.shape_cast %get3A_225 : vector<16xi32> to vector<16xi32>
      tpu.vector_store %arg11[%swap3A_226], %swap3A_229 {strides = array<i32>} : memref<128xi32, #tpu.memory_space<vmem>>, vector<16xi32>,
      %get3A_230 = arith.constant 16 : index
      %get3A_231 = tpu.vector_load %arg9[%get3A_230] {strides = array<i32>} : memref<256xi32, #tpu.memory_space<vmem>>, vector<16xi32>,
      %get3A_232 = vector.shape_cast %get3A_231 : vector<16xi32> to vector<16xi32>
      %add3A_233 = arith.addi %get3A_232, %get3A_232 : vector<16xi32>
      %add3A_234 = vector.broadcast %arg0 : i32 to vector<16xi32>
      %add3A_235 = arith.addi %add3A_233, %add3A_234 : vector<16xi32>
      %swap3A_236 = arith.constant 16 : index
      %swap3A_237 = tpu.vector_load %arg13[%swap3A_236] {strides = array<i32>} : memref<128xi32, #tpu.memory_space<vmem>>, vector<16xi32>,
      %swap3A_238 = vector.shape_cast %swap3A_237 : vector<16xi32> to vector<16xi32>
      %swap3A_239 = vector.shape_cast %add3A_235 : vector<16xi32> to vector<16xi32>
      tpu.vector_store %arg13[%swap3A_236], %swap3A_239 {strides = array<i32>} : memref<128xi32, #tpu.memory_space<vmem>>, vector<16xi32>,
      %get3A_240 = arith.constant 144 : index
      %get3A_241 = tpu.vector_load %arg9[%get3A_240] {strides = array<i32>} : memref<256xi32, #tpu.memory_space<vmem>>, vector<16xi32>,
      %get3A_242 = vector.shape_cast %get3A_241 : vector<16xi32> to vector<16xi32>
      %swap3A_243 = arith.constant 16 : index
      %swap3A_244 = tpu.vector_load %arg11[%swap3A_243] {strides = array<i32>} : memref<128xi32, #tpu.memory_space<vmem>>, vector<16xi32>,
      %swap3A_245 = vector.shape_cast %swap3A_244 : vector<16xi32> to vector<16xi32>
      %swap3A_246 = vector.shape_cast %get3A_242 : vector<16xi32> to vector<16xi32>
      tpu.vector_store %arg11[%swap3A_243], %swap3A_246 {strides = array<i32>} : memref<128xi32, #tpu.memory_space<vmem>>, vector<16xi32>,
      %get3A_247 = arith.constant 32 : index
      %get3A_248 = tpu.vector_load %arg9[%get3A_247] {strides = array<i32>} : memref<256xi32, #tpu.memory_space<vmem>>, vector<16xi32>,
      %get3A_249 = vector.shape_cast %get3A_248 : vector<16xi32> to vector<16xi32>
      %add3A_250 = arith.addi %get3A_249, %get3A_249 : vector<16xi32>
      %add3A_251 = vector.broadcast %arg0 : i32 to vector<16xi32>
      %add3A_252 = arith.addi %add3A_250, %add3A_251 : vector<16xi32>
      %swap3A_253 = arith.constant 32 : index
      %swap3A_254 = tpu.vector_load %arg13[%swap3A_253] {strides = array<i32>} : memref<128xi32, #tpu.memory_space<vmem>>, vector<16xi32>,
      %swap3A_255 = vector.shape_cast %swap3A_254 : vector<16xi32> to vector<16xi32>
      %swap3A_256 = vector.shape_cast %add3A_252 : vector<16xi32> to vector<16xi32>
      tpu.vector_store %arg13[%swap3A_253], %swap3A_256 {strides = array<i32>} : memref<128xi32, #tpu.memory_space<vmem>>, vector<16xi32>,
      %get3A_257 = arith.constant 160 : index
      %get3A_258 = tpu.vector_load %arg9[%get3A_257] {strides = array<i32>} : memref<256xi32, #tpu.memory_space<vmem>>, vector<16xi32>,
      %get3A_259 = vector.shape_cast %get3A_258 : vector<16xi32> to vector<16xi32>
      %swap3A_260 = arith.constant 32 : index
      %swap3A_261 = tpu.vector_load %arg11[%swap3A_260] {strides = array<i32>} : memref<128xi32, #tpu.memory_space<vmem>>, vector<16xi32>,
      %swap3A_262 = vector.shape_cast %swap3A_261 : vector<16xi32> to vector<16xi32>
      %swap3A_263 = vector.shape_cast %get3A_259 : vector<16xi32> to vector<16xi32>
      tpu.vector_store %arg11[%swap3A_260], %swap3A_263 {strides = array<i32>} : memref<128xi32, #tpu.memory_space<vmem>>, vector<16xi32>,
      %get3A_264 = arith.constant 48 : index
      %get3A_265 = tpu.vector_load %arg9[%get3A_264] {strides = array<i32>} : memref<256xi32, #tpu.memory_space<vmem>>, vector<16xi32>,
      %get3A_266 = vector.shape_cast %get3A_265 : vector<16xi32> to vector<16xi32>
      %add3A_267 = arith.addi %get3A_266, %get3A_266 : vector<16xi32>
      %add3A_268 = vector.broadcast %arg0 : i32 to vector<16xi32>
      %add3A_269 = arith.addi %add3A_267, %add3A_268 : vector<16xi32>
      %swap3A_270 = arith.constant 48 : index
      %swap3A_271 = tpu.vector_load %arg13[%swap3A_270] {strides = array<i32>} : memref<128xi32, #tpu.memory_space<vmem>>, vector<16xi32>,
      %swap3A_272 = vector.shape_cast %swap3A_271 : vector<16xi32> to vector<16xi32>
      %swap3A_273 = vector.shape_cast %add3A_269 : vector<16xi32> to vector<16xi32>
      tpu.vector_store %arg13[%swap3A_270], %swap3A_273 {strides = array<i32>} : memref<128xi32, #tpu.memory_space<vmem>>, vector<16xi32>,
      %get3A_274 = arith.constant 176 : index
      %get3A_275 = tpu.vector_load %arg9[%get3A_274] {strides = array<i32>} : memref<256xi32, #tpu.memory_space<vmem>>, vector<16xi32>,
      %get3A_276 = vector.shape_cast %get3A_275 : vector<16xi32> to vector<16xi32>
      %swap3A_277 = arith.constant 48 : index
      %swap3A_278 = tpu.vector_load %arg11[%swap3A_277] {strides = array<i32>} : memref<128xi32, #tpu.memory_space<vmem>>, vector<16xi32>,
      %swap3A_279 = vector.shape_cast %swap3A_278 : vector<16xi32> to vector<16xi32>
      %swap3A_280 = vector.shape_cast %get3A_276 : vector<16xi32> to vector<16xi32>
      tpu.vector_store %arg11[%swap3A_277], %swap3A_280 {strides = array<i32>} : memref<128xi32, #tpu.memory_space<vmem>>, vector<16xi32>,
      %get3A_281 = arith.constant 64 : index
      %get3A_282 = tpu.vector_load %arg9[%get3A_281] {strides = array<i32>} : memref<256xi32, #tpu.memory_space<vmem>>, vector<16xi32>,
      %get3A_283 = vector.shape_cast %get3A_282 : vector<16xi32> to vector<16xi32>
      %add3A_284 = arith.addi %get3A_283, %get3A_283 : vector<16xi32>
      %add3A_285 = vector.broadcast %arg0 : i32 to vector<16xi32>
      %add3A_286 = arith.addi %add3A_284, %add3A_285 : vector<16xi32>
      %swap3A_287 = arith.constant 64 : index
      %swap3A_288 = tpu.vector_load %arg13[%swap3A_287] {strides = array<i32>} : memref<128xi32, #tpu.memory_space<vmem>>, vector<16xi32>,
      %swap3A_289 = vector.shape_cast %swap3A_288 : vector<16xi32> to vector<16xi32>
      %swap3A_290 = vector.shape_cast %add3A_286 : vector<16xi32> to vector<16xi32>
      tpu.vector_store %arg13[%swap3A_287], %swap3A_290 {strides = array<i32>} : memref<128xi32, #tpu.memory_space<vmem>>, vector<16xi32>,
      %get3A_291 = arith.constant 192 : index
      %get3A_292 = tpu.vector_load %arg9[%get3A_291] {strides = array<i32>} : memref<256xi32, #tpu.memory_space<vmem>>, vector<16xi32>,
      %get3A_293 = vector.shape_cast %get3A_292 : vector<16xi32> to vector<16xi32>
      %swap3A_294 = arith.constant 64 : index
      %swap3A_295 = tpu.vector_load %arg11[%swap3A_294] {strides = array<i32>} : memref<128xi32, #tpu.memory_space<vmem>>, vector<16xi32>,
      %swap3A_296 = vector.shape_cast %swap3A_295 : vector<16xi32> to vector<16xi32>
      %swap3A_297 = vector.shape_cast %get3A_293 : vector<16xi32> to vector<16xi32>
      tpu.vector_store %arg11[%swap3A_294], %swap3A_297 {strides = array<i32>} : memref<128xi32, #tpu.memory_space<vmem>>, vector<16xi32>,
      %get3A_298 = arith.constant 80 : index
      %get3A_299 = tpu.vector_load %arg9[%get3A_298] {strides = array<i32>} : memref<256xi32, #tpu.memory_space<vmem>>, vector<16xi32>,
      %get3A_300 = vector.shape_cast %get3A_299 : vector<16xi32> to vector<16xi32>
      %add3A_301 = arith.addi %get3A_300, %get3A_300 : vector<16xi32>
      %add3A_302 = vector.broadcast %arg0 : i32 to vector<16xi32>
      %add3A_303 = arith.addi %add3A_301, %add3A_302 : vector<16xi32>
      %swap3A_304 = arith.constant 80 : index
      %swap3A_305 = tpu.vector_load %arg13[%swap3A_304] {strides = array<i32>} : memref<128xi32, #tpu.memory_space<vmem>>, vector<16xi32>,
      %swap3A_306 = vector.shape_cast %swap3A_305 : vector<16xi32> to vector<16xi32>
      %swap3A_307 = vector.shape_cast %add3A_303 : vector<16xi32> to vector<16xi32>
      tpu.vector_store %arg13[%swap3A_304], %swap3A_307 {strides = array<i32>} : memref<128xi32, #tpu.memory_space<vmem>>, vector<16xi32>,
      %get3A_308 = arith.constant 208 : index
      %get3A_309 = tpu.vector_load %arg9[%get3A_308] {strides = array<i32>} : memref<256xi32, #tpu.memory_space<vmem>>, vector<16xi32>,
      %get3A_310 = vector.shape_cast %get3A_309 : vector<16xi32> to vector<16xi32>
      %swap3A_311 = arith.constant 80 : index
      %swap3A_312 = tpu.vector_load %arg11[%swap3A_311] {strides = array<i32>} : memref<128xi32, #tpu.memory_space<vmem>>, vector<16xi32>,
      %swap3A_313 = vector.shape_cast %swap3A_312 : vector<16xi32> to vector<16xi32>
      %swap3A_314 = vector.shape_cast %get3A_310 : vector<16xi32> to vector<16xi32>
      tpu.vector_store %arg11[%swap3A_311], %swap3A_314 {strides = array<i32>} : memref<128xi32, #tpu.memory_space<vmem>>, vector<16xi32>,
      %get3A_315 = arith.constant 96 : index
      %get3A_316 = tpu.vector_load %arg9[%get3A_315] {strides = array<i32>} : memref<256xi32, #tpu.memory_space<vmem>>, vector<16xi32>,
      %get3A_317 = vector.shape_cast %get3A_316 : vector<16xi32> to vector<16xi32>
      %add3A_318 = arith.addi %get3A_317, %get3A_317 : vector<16xi32>
      %add3A_319 = vector.broadcast %arg0 : i32 to vector<16xi32>
      %add3A_320 = arith.addi %add3A_318, %add3A_319 : vector<16xi32>
      %swap3A_321 = arith.constant 96 : index
      %swap3A_322 = tpu.vector_load %arg13[%swap3A_321] {strides = array<i32>} : memref<128xi32, #tpu.memory_space<vmem>>, vector<16xi32>,
      %swap3A_323 = vector.shape_cast %swap3A_322 : vector<16xi32> to vector<16xi32>
      %swap3A_324 = vector.shape_cast %add3A_320 : vector<16xi32> to vector<16xi32>
      tpu.vector_store %arg13[%swap3A_321], %swap3A_324 {strides = array<i32>} : memref<128xi32, #tpu.memory_space<vmem>>, vector<16xi32>,
      %get3A_325 = arith.constant 224 : index
      %get3A_326 = tpu.vector_load %arg9[%get3A_325] {strides = array<i32>} : memref<256xi32, #tpu.memory_space<vmem>>, vector<16xi32>,
      %get3A_327 = vector.shape_cast %get3A_326 : vector<16xi32> to vector<16xi32>
      %swap3A_328 = arith.constant 96 : index
      %swap3A_329 = tpu.vector_load %arg11[%swap3A_328] {strides = array<i32>} : memref<128xi32, #tpu.memory_space<vmem>>, vector<16xi32>,
      %swap3A_330 = vector.shape_cast %swap3A_329 : vector<16xi32> to vector<16xi32>
      %swap3A_331 = vector.shape_cast %get3A_327 : vector<16xi32> to vector<16xi32>
      tpu.vector_store %arg11[%swap3A_328], %swap3A_331 {strides = array<i32>} : memref<128xi32, #tpu.memory_space<vmem>>, vector<16xi32>,
      %get3A_332 = arith.constant 112 : index
      %get3A_333 = tpu.vector_load %arg9[%get3A_332] {strides = array<i32>} : memref<256xi32, #tpu.memory_space<vmem>>, vector<16xi32>,
      %get3A_334 = vector.shape_cast %get3A_333 : vector<16xi32> to vector<16xi32>
      %add3A_335 = arith.addi %get3A_334, %get3A_334 : vector<16xi32>
      %add3A_336 = vector.broadcast %arg0 : i32 to vector<16xi32>
      %add3A_337 = arith.addi %add3A_335, %add3A_336 : vector<16xi32>
      %swap3A_338 = arith.constant 112 : index
      %swap3A_339 = tpu.vector_load %arg13[%swap3A_338] {strides = array<i32>} : memref<128xi32, #tpu.memory_space<vmem>>, vector<16xi32>,
      %swap3A_340 = vector.shape_cast %swap3A_339 : vector<16xi32> to vector<16xi32>
      %swap3A_341 = vector.shape_cast %add3A_337 : vector<16xi32> to vector<16xi32>
      tpu.vector_store %arg13[%swap3A_338], %swap3A_341 {strides = array<i32>} : memref<128xi32, #tpu.memory_space<vmem>>, vector<16xi32>,
      %get3A_342 = arith.constant 240 : index
      %get3A_343 = tpu.vector_load %arg9[%get3A_342] {strides = array<i32>} : memref<256xi32, #tpu.memory_space<vmem>>, vector<16xi32>,
      %get3A_344 = vector.shape_cast %get3A_343 : vector<16xi32> to vector<16xi32>
      %swap3A_345 = arith.constant 112 : index
      %swap3A_346 = tpu.vector_load %arg11[%swap3A_345] {strides = array<i32>} : memref<128xi32, #tpu.memory_space<vmem>>, vector<16xi32>,
      %swap3A_347 = vector.shape_cast %swap3A_346 : vector<16xi32> to vector<16xi32>
      %swap3A_348 = vector.shape_cast %get3A_344 : vector<16xi32> to vector<16xi32>
      tpu.vector_store %arg11[%swap3A_345], %swap3A_348 {strides = array<i32>} : memref<128xi32, #tpu.memory_space<vmem>>, vector<16xi32>,
      %dma_wait3A_349 = arith.constant 0 : i32
      %dma_wait3A_350 = arith.constant 0 : i32
      %dma_wait3A_351 = tpu.memref_slice %arg2[%dma_wait3A_349, %dma_wait3A_350] : memref<20000x128xbf16, #tpu.memory_space<hbm>> -> memref<20000x128xbf16, #tpu.memory_space<hbm>>
      tpu.wait_indirect_dma semaphore(%arg18 : memref<!tpu.dma_semaphore, #tpu.memory_space<semaphore_mem>>) src(%dma_wait3A_351 : memref<20000x128xbf16, #tpu.memory_space<hbm>>) dst(%arg14 : memref<128x128xbf16, #tpu.memory_space<vmem>>)
      %dma_start3A_352 = arith.constant 0 : i32
      %dma_start3A_353 = arith.constant 0 : i32
      %dma_start3A_354 = tpu.memref_slice %arg2[%dma_start3A_352, %dma_start3A_353] : memref<20000x128xbf16, #tpu.memory_space<hbm>> -> memref<20000x128xbf16, #tpu.memory_space<hbm>>
      tpu.enqueue_indirect_dma source(%dma_start3A_354 : memref<20000x128xbf16, #tpu.memory_space<hbm>>) target(%arg15 : memref<128x128xbf16, #tpu.memory_space<vmem>>) offsets(%arg13 : memref<128xi32, #tpu.memory_space<vmem>>) semaphore(%arg19 : memref<!tpu.dma_semaphore, #tpu.memory_space<semaphore_mem>>)
      %lt3A = arith.constant 39 : i32
      %lt3A_355 = arith.cmpi slt, %scan3A_204, %lt3A : i32
      %convert_element_type3A_356 = arith.extui %lt3A_355 : i1 to i32
      %cond3A_357 = arith.constant 0 : i32
      %cond3A_358 = arith.cmpi ne, %convert_element_type3A_356, %cond3A_357 : i32
      scf.if %cond3A_358 {
        %add3A_388 = arith.constant 2 : i32
        %add3A_389 = arith.addi %mul3A_206, %add3A_388 : i32
        %mul3A_390 = arith.constant 2 : i32
        %mul3A_391 = arith.muli %add3A_389, %mul3A_390 : i32
        %mul3A_392 = arith.constant 128 : i32
        %mul3A_393 = arith.muli %mul3A_391, %mul3A_392 : i32
        %add3A_394 = arith.addi %mul3A_36, %mul3A_393 : i32
        %dma_start3A_395 = tpu.memref_slice %arg3[%add3A_394] : memref<327680xi32, #tpu.memory_space<hbm>> -> memref<256xi32, #tpu.memory_space<hbm>>
        %dma_start3A_396 = tpu.memref_slice %arg3[%add3A_394] : memref<327680xi32, #tpu.memory_space<hbm>> -> memref<256xi32, #tpu.memory_space<hbm>>
        tpu.enqueue_dma source(%dma_start3A_396 : memref<256xi32, #tpu.memory_space<hbm>>) target(%arg8 : memref<256xi32, #tpu.memory_space<vmem>>) target_semaphore(%arg20 : memref<!tpu.dma_semaphore, #tpu.memory_space<semaphore_mem>>)
      } else {
      }
      %dma_start3A_359 = arith.constant 0 : i32
      %dma_start3A_360 = arith.constant 0 : i32
      %dma_start3A_361 = tpu.memref_slice %arg6[%dma_start3A_359, %dma_start3A_360] : memref<10240x128xbf16, #tpu.memory_space<vmem_shared>> -> memref<10240x128xbf16, #tpu.memory_space<vmem_shared>>
      tpu.enqueue_indirect_dma source(%arg14 : memref<128x128xbf16, #tpu.memory_space<vmem>>) target(%dma_start3A_361 : memref<10240x128xbf16, #tpu.memory_space<vmem_shared>>) offsets(%arg10 : memref<128xi32, #tpu.memory_space<vmem>>) semaphore(%arg22 : memref<!tpu.dma_semaphore, #tpu.memory_space<semaphore_mem>>) {add = true}
      %eq3A_362 = arith.constant 0 : i32
      %eq3A_363 = arith.cmpi eq, %arg0, %eq3A_362 : i32
      %convert_element_type3A_364 = arith.extui %eq3A_363 : i1 to i32
      %cond3A_365 = arith.constant 0 : i32
      %cond3A_366 = arith.cmpi ne, %convert_element_type3A_364, %cond3A_365 : i32
      scf.if %cond3A_366 {
        %dma_start3A_388 = arith.constant 0 : i32
        %dma_start3A_389 = arith.constant 0 : i32
        %dma_start3A_390 = tpu.memref_slice %arg7[%dma_start3A_388, %dma_start3A_389] : memref<10240x16xf32, #tpu.memory_space<vmem_shared>> -> memref<10240x16xf32, #tpu.memory_space<vmem_shared>>
        tpu.enqueue_indirect_dma source(%arg16 : memref<128x16xf32, #tpu.memory_space<vmem>>) target(%dma_start3A_390 : memref<10240x16xf32, #tpu.memory_space<vmem_shared>>) offsets(%arg10 : memref<128xi32, #tpu.memory_space<vmem>>) semaphore(%arg24 : memref<!tpu.dma_semaphore, #tpu.memory_space<semaphore_mem>>) {add = true}
      } else {
      }
      %lt3A_367 = arith.constant 39 : i32
      %lt3A_368 = arith.cmpi slt, %scan3A_204, %lt3A_367 : i32
      %convert_element_type3A_369 = arith.extui %lt3A_368 : i1 to i32
      %cond3A_370 = arith.constant 0 : i32
      %cond3A_371 = arith.cmpi ne, %convert_element_type3A_369, %cond3A_370 : i32
      scf.if %cond3A_371 {
        %dma_wait3A_388 = tpu.memref_slice %arg3[%mul3A_36] : memref<327680xi32, #tpu.memory_space<hbm>> -> memref<256xi32, #tpu.memory_space<hbm>>
        %dma_wait3A_389 = tpu.memref_slice %arg3[%mul3A_36] : memref<327680xi32, #tpu.memory_space<hbm>> -> memref<256xi32, #tpu.memory_space<hbm>>
        tpu.wait_dma2 semaphore(%arg20 : memref<!tpu.dma_semaphore, #tpu.memory_space<semaphore_mem>>) src(%dma_wait3A_389 : memref<256xi32, #tpu.memory_space<hbm>>) dst(%arg8 : memref<256xi32, #tpu.memory_space<vmem>>)
        %eq3A_390 = arith.constant 0 : i32
        %eq3A_391 = arith.cmpi eq, %arg0, %eq3A_390 : i32
        %convert_element_type3A_392 = arith.extui %eq3A_391 : i1 to i32
        %cond3A_393 = arith.constant 0 : i32
        %cond3A_394 = arith.cmpi ne, %convert_element_type3A_392, %cond3A_393 : i32
        scf.if %cond3A_394 {
          %dma_wait3A_534 = arith.constant 0 : i32
          %dma_wait3A_535 = arith.constant 0 : i32
          %dma_wait3A_536 = tpu.memref_slice %arg7[%dma_wait3A_534, %dma_wait3A_535] : memref<10240x16xf32, #tpu.memory_space<vmem_shared>> -> memref<10240x16xf32, #tpu.memory_space<vmem_shared>>
          tpu.wait_indirect_dma semaphore(%arg24 : memref<!tpu.dma_semaphore, #tpu.memory_space<semaphore_mem>>) src(%arg16 : memref<128x16xf32, #tpu.memory_space<vmem>>) dst(%dma_wait3A_536 : memref<10240x16xf32, #tpu.memory_space<vmem_shared>>)
        } else {
        }
        %dma_wait3A_395 = arith.constant 0 : i32
        %dma_wait3A_396 = arith.constant 0 : i32
        %dma_wait3A_397 = tpu.memref_slice %arg6[%dma_wait3A_395, %dma_wait3A_396] : memref<10240x128xbf16, #tpu.memory_space<vmem_shared>> -> memref<10240x128xbf16, #tpu.memory_space<vmem_shared>>
        tpu.wait_indirect_dma semaphore(%arg22 : memref<!tpu.dma_semaphore, #tpu.memory_space<semaphore_mem>>) src(%arg14 : memref<128x128xbf16, #tpu.memory_space<vmem>>) dst(%dma_wait3A_397 : memref<10240x128xbf16, #tpu.memory_space<vmem_shared>>)
        %get3A_398 = arith.constant 0 : index
        %get3A_399 = tpu.vector_load %arg8[%get3A_398] {strides = array<i32>} : memref<256xi32, #tpu.memory_space<vmem>>, vector<16xi32>,
        %get3A_400 = vector.shape_cast %get3A_399 : vector<16xi32> to vector<16xi32>
        %add3A_401 = arith.addi %get3A_400, %get3A_400 : vector<16xi32>
        %add3A_402 = vector.broadcast %arg0 : i32 to vector<16xi32>
        %add3A_403 = arith.addi %add3A_401, %add3A_402 : vector<16xi32>
        %swap3A_404 = arith.constant 0 : index
        %swap3A_405 = tpu.vector_load %arg12[%swap3A_404] {strides = array<i32>} : memref<128xi32, #tpu.memory_space<vmem>>, vector<16xi32>,
        %swap3A_406 = vector.shape_cast %swap3A_405 : vector<16xi32> to vector<16xi32>
        %swap3A_407 = vector.shape_cast %add3A_403 : vector<16xi32> to vector<16xi32>
        tpu.vector_store %arg12[%swap3A_404], %swap3A_407 {strides = array<i32>} : memref<128xi32, #tpu.memory_space<vmem>>, vector<16xi32>,
        %get3A_408 = arith.constant 128 : index
        %get3A_409 = tpu.vector_load %arg8[%get3A_408] {strides = array<i32>} : memref<256xi32, #tpu.memory_space<vmem>>, vector<16xi32>,
        %get3A_410 = vector.shape_cast %get3A_409 : vector<16xi32> to vector<16xi32>
        %swap3A_411 = arith.constant 0 : index
        %swap3A_412 = tpu.vector_load %arg10[%swap3A_411] {strides = array<i32>} : memref<128xi32, #tpu.memory_space<vmem>>, vector<16xi32>,
        %swap3A_413 = vector.shape_cast %swap3A_412 : vector<16xi32> to vector<16xi32>
        %swap3A_414 = vector.shape_cast %get3A_410 : vector<16xi32> to vector<16xi32>
        tpu.vector_store %arg10[%swap3A_411], %swap3A_414 {strides = array<i32>} : memref<128xi32, #tpu.memory_space<vmem>>, vector<16xi32>,
        %get3A_415 = arith.constant 16 : index
        %get3A_416 = tpu.vector_load %arg8[%get3A_415] {strides = array<i32>} : memref<256xi32, #tpu.memory_space<vmem>>, vector<16xi32>,
        %get3A_417 = vector.shape_cast %get3A_416 : vector<16xi32> to vector<16xi32>
        %add3A_418 = arith.addi %get3A_417, %get3A_417 : vector<16xi32>
        %add3A_419 = vector.broadcast %arg0 : i32 to vector<16xi32>
        %add3A_420 = arith.addi %add3A_418, %add3A_419 : vector<16xi32>
        %swap3A_421 = arith.constant 16 : index
        %swap3A_422 = tpu.vector_load %arg12[%swap3A_421] {strides = array<i32>} : memref<128xi32, #tpu.memory_space<vmem>>, vector<16xi32>,
        %swap3A_423 = vector.shape_cast %swap3A_422 : vector<16xi32> to vector<16xi32>
        %swap3A_424 = vector.shape_cast %add3A_420 : vector<16xi32> to vector<16xi32>
        tpu.vector_store %arg12[%swap3A_421], %swap3A_424 {strides = array<i32>} : memref<128xi32, #tpu.memory_space<vmem>>, vector<16xi32>,
        %get3A_425 = arith.constant 144 : index
        %get3A_426 = tpu.vector_load %arg8[%get3A_425] {strides = array<i32>} : memref<256xi32, #tpu.memory_space<vmem>>, vector<16xi32>,
        %get3A_427 = vector.shape_cast %get3A_426 : vector<16xi32> to vector<16xi32>
        %swap3A_428 = arith.constant 16 : index
        %swap3A_429 = tpu.vector_load %arg10[%swap3A_428] {strides = array<i32>} : memref<128xi32, #tpu.memory_space<vmem>>, vector<16xi32>,
        %swap3A_430 = vector.shape_cast %swap3A_429 : vector<16xi32> to vector<16xi32>
        %swap3A_431 = vector.shape_cast %get3A_427 : vector<16xi32> to vector<16xi32>
        tpu.vector_store %arg10[%swap3A_428], %swap3A_431 {strides = array<i32>} : memref<128xi32, #tpu.memory_space<vmem>>, vector<16xi32>,
        %get3A_432 = arith.constant 32 : index
        %get3A_433 = tpu.vector_load %arg8[%get3A_432] {strides = array<i32>} : memref<256xi32, #tpu.memory_space<vmem>>, vector<16xi32>,
        %get3A_434 = vector.shape_cast %get3A_433 : vector<16xi32> to vector<16xi32>
        %add3A_435 = arith.addi %get3A_434, %get3A_434 : vector<16xi32>
        %add3A_436 = vector.broadcast %arg0 : i32 to vector<16xi32>
        %add3A_437 = arith.addi %add3A_435, %add3A_436 : vector<16xi32>
        %swap3A_438 = arith.constant 32 : index
        %swap3A_439 = tpu.vector_load %arg12[%swap3A_438] {strides = array<i32>} : memref<128xi32, #tpu.memory_space<vmem>>, vector<16xi32>,
        %swap3A_440 = vector.shape_cast %swap3A_439 : vector<16xi32> to vector<16xi32>
        %swap3A_441 = vector.shape_cast %add3A_437 : vector<16xi32> to vector<16xi32>
        tpu.vector_store %arg12[%swap3A_438], %swap3A_441 {strides = array<i32>} : memref<128xi32, #tpu.memory_space<vmem>>, vector<16xi32>,
        %get3A_442 = arith.constant 160 : index
        %get3A_443 = tpu.vector_load %arg8[%get3A_442] {strides = array<i32>} : memref<256xi32, #tpu.memory_space<vmem>>, vector<16xi32>,
        %get3A_444 = vector.shape_cast %get3A_443 : vector<16xi32> to vector<16xi32>
        %swap3A_445 = arith.constant 32 : index
        %swap3A_446 = tpu.vector_load %arg10[%swap3A_445] {strides = array<i32>} : memref<128xi32, #tpu.memory_space<vmem>>, vector<16xi32>,
        %swap3A_447 = vector.shape_cast %swap3A_446 : vector<16xi32> to vector<16xi32>
        %swap3A_448 = vector.shape_cast %get3A_444 : vector<16xi32> to vector<16xi32>
        tpu.vector_store %arg10[%swap3A_445], %swap3A_448 {strides = array<i32>} : memref<128xi32, #tpu.memory_space<vmem>>, vector<16xi32>,
        %get3A_449 = arith.constant 48 : index
        %get3A_450 = tpu.vector_load %arg8[%get3A_449] {strides = array<i32>} : memref<256xi32, #tpu.memory_space<vmem>>, vector<16xi32>,
        %get3A_451 = vector.shape_cast %get3A_450 : vector<16xi32> to vector<16xi32>
        %add3A_452 = arith.addi %get3A_451, %get3A_451 : vector<16xi32>
        %add3A_453 = vector.broadcast %arg0 : i32 to vector<16xi32>
        %add3A_454 = arith.addi %add3A_452, %add3A_453 : vector<16xi32>
        %swap3A_455 = arith.constant 48 : index
        %swap3A_456 = tpu.vector_load %arg12[%swap3A_455] {strides = array<i32>} : memref<128xi32, #tpu.memory_space<vmem>>, vector<16xi32>,
        %swap3A_457 = vector.shape_cast %swap3A_456 : vector<16xi32> to vector<16xi32>
        %swap3A_458 = vector.shape_cast %add3A_454 : vector<16xi32> to vector<16xi32>
        tpu.vector_store %arg12[%swap3A_455], %swap3A_458 {strides = array<i32>} : memref<128xi32, #tpu.memory_space<vmem>>, vector<16xi32>,
        %get3A_459 = arith.constant 176 : index
        %get3A_460 = tpu.vector_load %arg8[%get3A_459] {strides = array<i32>} : memref<256xi32, #tpu.memory_space<vmem>>, vector<16xi32>,
        %get3A_461 = vector.shape_cast %get3A_460 : vector<16xi32> to vector<16xi32>
        %swap3A_462 = arith.constant 48 : index
        %swap3A_463 = tpu.vector_load %arg10[%swap3A_462] {strides = array<i32>} : memref<128xi32, #tpu.memory_space<vmem>>, vector<16xi32>,
        %swap3A_464 = vector.shape_cast %swap3A_463 : vector<16xi32> to vector<16xi32>
        %swap3A_465 = vector.shape_cast %get3A_461 : vector<16xi32> to vector<16xi32>
        tpu.vector_store %arg10[%swap3A_462], %swap3A_465 {strides = array<i32>} : memref<128xi32, #tpu.memory_space<vmem>>, vector<16xi32>,
        %get3A_466 = arith.constant 64 : index
        %get3A_467 = tpu.vector_load %arg8[%get3A_466] {strides = array<i32>} : memref<256xi32, #tpu.memory_space<vmem>>, vector<16xi32>,
        %get3A_468 = vector.shape_cast %get3A_467 : vector<16xi32> to vector<16xi32>
        %add3A_469 = arith.addi %get3A_468, %get3A_468 : vector<16xi32>
        %add3A_470 = vector.broadcast %arg0 : i32 to vector<16xi32>
        %add3A_471 = arith.addi %add3A_469, %add3A_470 : vector<16xi32>
        %swap3A_472 = arith.constant 64 : index
        %swap3A_473 = tpu.vector_load %arg12[%swap3A_472] {strides = array<i32>} : memref<128xi32, #tpu.memory_space<vmem>>, vector<16xi32>,
        %swap3A_474 = vector.shape_cast %swap3A_473 : vector<16xi32> to vector<16xi32>
        %swap3A_475 = vector.shape_cast %add3A_471 : vector<16xi32> to vector<16xi32>
        tpu.vector_store %arg12[%swap3A_472], %swap3A_475 {strides = array<i32>} : memref<128xi32, #tpu.memory_space<vmem>>, vector<16xi32>,
        %get3A_476 = arith.constant 192 : index
        %get3A_477 = tpu.vector_load %arg8[%get3A_476] {strides = array<i32>} : memref<256xi32, #tpu.memory_space<vmem>>, vector<16xi32>,
        %get3A_478 = vector.shape_cast %get3A_477 : vector<16xi32> to vector<16xi32>
        %swap3A_479 = arith.constant 64 : index
        %swap3A_480 = tpu.vector_load %arg10[%swap3A_479] {strides = array<i32>} : memref<128xi32, #tpu.memory_space<vmem>>, vector<16xi32>,
        %swap3A_481 = vector.shape_cast %swap3A_480 : vector<16xi32> to vector<16xi32>
        %swap3A_482 = vector.shape_cast %get3A_478 : vector<16xi32> to vector<16xi32>
        tpu.vector_store %arg10[%swap3A_479], %swap3A_482 {strides = array<i32>} : memref<128xi32, #tpu.memory_space<vmem>>, vector<16xi32>,
        %get3A_483 = arith.constant 80 : index
        %get3A_484 = tpu.vector_load %arg8[%get3A_483] {strides = array<i32>} : memref<256xi32, #tpu.memory_space<vmem>>, vector<16xi32>,
        %get3A_485 = vector.shape_cast %get3A_484 : vector<16xi32> to vector<16xi32>
        %add3A_486 = arith.addi %get3A_485, %get3A_485 : vector<16xi32>
        %add3A_487 = vector.broadcast %arg0 : i32 to vector<16xi32>
        %add3A_488 = arith.addi %add3A_486, %add3A_487 : vector<16xi32>
        %swap3A_489 = arith.constant 80 : index
        %swap3A_490 = tpu.vector_load %arg12[%swap3A_489] {strides = array<i32>} : memref<128xi32, #tpu.memory_space<vmem>>, vector<16xi32>,
        %swap3A_491 = vector.shape_cast %swap3A_490 : vector<16xi32> to vector<16xi32>
        %swap3A_492 = vector.shape_cast %add3A_488 : vector<16xi32> to vector<16xi32>
        tpu.vector_store %arg12[%swap3A_489], %swap3A_492 {strides = array<i32>} : memref<128xi32, #tpu.memory_space<vmem>>, vector<16xi32>,
        %get3A_493 = arith.constant 208 : index
        %get3A_494 = tpu.vector_load %arg8[%get3A_493] {strides = array<i32>} : memref<256xi32, #tpu.memory_space<vmem>>, vector<16xi32>,
        %get3A_495 = vector.shape_cast %get3A_494 : vector<16xi32> to vector<16xi32>
        %swap3A_496 = arith.constant 80 : index
        %swap3A_497 = tpu.vector_load %arg10[%swap3A_496] {strides = array<i32>} : memref<128xi32, #tpu.memory_space<vmem>>, vector<16xi32>,
        %swap3A_498 = vector.shape_cast %swap3A_497 : vector<16xi32> to vector<16xi32>
        %swap3A_499 = vector.shape_cast %get3A_495 : vector<16xi32> to vector<16xi32>
        tpu.vector_store %arg10[%swap3A_496], %swap3A_499 {strides = array<i32>} : memref<128xi32, #tpu.memory_space<vmem>>, vector<16xi32>,
        %get3A_500 = arith.constant 96 : index
        %get3A_501 = tpu.vector_load %arg8[%get3A_500] {strides = array<i32>} : memref<256xi32, #tpu.memory_space<vmem>>, vector<16xi32>,
        %get3A_502 = vector.shape_cast %get3A_501 : vector<16xi32> to vector<16xi32>
        %add3A_503 = arith.addi %get3A_502, %get3A_502 : vector<16xi32>
        %add3A_504 = vector.broadcast %arg0 : i32 to vector<16xi32>
        %add3A_505 = arith.addi %add3A_503, %add3A_504 : vector<16xi32>
        %swap3A_506 = arith.constant 96 : index
        %swap3A_507 = tpu.vector_load %arg12[%swap3A_506] {strides = array<i32>} : memref<128xi32, #tpu.memory_space<vmem>>, vector<16xi32>,
        %swap3A_508 = vector.shape_cast %swap3A_507 : vector<16xi32> to vector<16xi32>
        %swap3A_509 = vector.shape_cast %add3A_505 : vector<16xi32> to vector<16xi32>
        tpu.vector_store %arg12[%swap3A_506], %swap3A_509 {strides = array<i32>} : memref<128xi32, #tpu.memory_space<vmem>>, vector<16xi32>,
        %get3A_510 = arith.constant 224 : index
        %get3A_511 = tpu.vector_load %arg8[%get3A_510] {strides = array<i32>} : memref<256xi32, #tpu.memory_space<vmem>>, vector<16xi32>,
        %get3A_512 = vector.shape_cast %get3A_511 : vector<16xi32> to vector<16xi32>
        %swap3A_513 = arith.constant 96 : index
        %swap3A_514 = tpu.vector_load %arg10[%swap3A_513] {strides = array<i32>} : memref<128xi32, #tpu.memory_space<vmem>>, vector<16xi32>,
        %swap3A_515 = vector.shape_cast %swap3A_514 : vector<16xi32> to vector<16xi32>
        %swap3A_516 = vector.shape_cast %get3A_512 : vector<16xi32> to vector<16xi32>
        tpu.vector_store %arg10[%swap3A_513], %swap3A_516 {strides = array<i32>} : memref<128xi32, #tpu.memory_space<vmem>>, vector<16xi32>,
        %get3A_517 = arith.constant 112 : index
        %get3A_518 = tpu.vector_load %arg8[%get3A_517] {strides = array<i32>} : memref<256xi32, #tpu.memory_space<vmem>>, vector<16xi32>,
        %get3A_519 = vector.shape_cast %get3A_518 : vector<16xi32> to vector<16xi32>
        %add3A_520 = arith.addi %get3A_519, %get3A_519 : vector<16xi32>
        %add3A_521 = vector.broadcast %arg0 : i32 to vector<16xi32>
        %add3A_522 = arith.addi %add3A_520, %add3A_521 : vector<16xi32>
        %swap3A_523 = arith.constant 112 : index
        %swap3A_524 = tpu.vector_load %arg12[%swap3A_523] {strides = array<i32>} : memref<128xi32, #tpu.memory_space<vmem>>, vector<16xi32>,
        %swap3A_525 = vector.shape_cast %swap3A_524 : vector<16xi32> to vector<16xi32>
        %swap3A_526 = vector.shape_cast %add3A_522 : vector<16xi32> to vector<16xi32>
        tpu.vector_store %arg12[%swap3A_523], %swap3A_526 {strides = array<i32>} : memref<128xi32, #tpu.memory_space<vmem>>, vector<16xi32>,
        %get3A_527 = arith.constant 240 : index
        %get3A_528 = tpu.vector_load %arg8[%get3A_527] {strides = array<i32>} : memref<256xi32, #tpu.memory_space<vmem>>, vector<16xi32>,
        %get3A_529 = vector.shape_cast %get3A_528 : vector<16xi32> to vector<16xi32>
        %swap3A_530 = arith.constant 112 : index
        %swap3A_531 = tpu.vector_load %arg10[%swap3A_530] {strides = array<i32>} : memref<128xi32, #tpu.memory_space<vmem>>, vector<16xi32>,
        %swap3A_532 = vector.shape_cast %swap3A_531 : vector<16xi32> to vector<16xi32>
        %swap3A_533 = vector.shape_cast %get3A_529 : vector<16xi32> to vector<16xi32>
        tpu.vector_store %arg10[%swap3A_530], %swap3A_533 {strides = array<i32>} : memref<128xi32, #tpu.memory_space<vmem>>, vector<16xi32>,
      } else {
      }
      %dma_wait3A_372 = arith.constant 0 : i32
      %dma_wait3A_373 = arith.constant 0 : i32
      %dma_wait3A_374 = tpu.memref_slice %arg2[%dma_wait3A_372, %dma_wait3A_373] : memref<20000x128xbf16, #tpu.memory_space<hbm>> -> memref<20000x128xbf16, #tpu.memory_space<hbm>>
      tpu.wait_indirect_dma semaphore(%arg19 : memref<!tpu.dma_semaphore, #tpu.memory_space<semaphore_mem>>) src(%dma_wait3A_374 : memref<20000x128xbf16, #tpu.memory_space<hbm>>) dst(%arg15 : memref<128x128xbf16, #tpu.memory_space<vmem>>)
      %lt3A_375 = arith.constant 39 : i32
      %lt3A_376 = arith.cmpi slt, %scan3A_204, %lt3A_375 : i32
      %convert_element_type3A_377 = arith.extui %lt3A_376 : i1 to i32
      %cond3A_378 = arith.constant 0 : i32
      %cond3A_379 = arith.cmpi ne, %convert_element_type3A_377, %cond3A_378 : i32
      scf.if %cond3A_379 {
        %dma_start3A_388 = arith.constant 0 : i32
        %dma_start3A_389 = arith.constant 0 : i32
        %dma_start3A_390 = tpu.memref_slice %arg2[%dma_start3A_388, %dma_start3A_389] : memref<20000x128xbf16, #tpu.memory_space<hbm>> -> memref<20000x128xbf16, #tpu.memory_space<hbm>>
        tpu.enqueue_indirect_dma source(%dma_start3A_390 : memref<20000x128xbf16, #tpu.memory_space<hbm>>) target(%arg14 : memref<128x128xbf16, #tpu.memory_space<vmem>>) offsets(%arg12 : memref<128xi32, #tpu.memory_space<vmem>>) semaphore(%arg18 : memref<!tpu.dma_semaphore, #tpu.memory_space<semaphore_mem>>)
        %add3A_391 = arith.constant 3 : i32
        %add3A_392 = arith.addi %mul3A_206, %add3A_391 : i32
        %mul3A_393 = arith.constant 2 : i32
        %mul3A_394 = arith.muli %add3A_392, %mul3A_393 : i32
        %mul3A_395 = arith.constant 128 : i32
        %mul3A_396 = arith.muli %mul3A_394, %mul3A_395 : i32
        %add3A_397 = arith.addi %mul3A_36, %mul3A_396 : i32
        %dma_start3A_398 = tpu.memref_slice %arg3[%add3A_397] : memref<327680xi32, #tpu.memory_space<hbm>> -> memref<256xi32, #tpu.memory_space<hbm>>
        %dma_start3A_399 = tpu.memref_slice %arg3[%add3A_397] : memref<327680xi32, #tpu.memory_space<hbm>> -> memref<256xi32, #tpu.memory_space<hbm>>
        tpu.enqueue_dma source(%dma_start3A_399 : memref<256xi32, #tpu.memory_space<hbm>>) target(%arg9 : memref<256xi32, #tpu.memory_space<vmem>>) target_semaphore(%arg21 : memref<!tpu.dma_semaphore, #tpu.memory_space<semaphore_mem>>)
      } else {
      }
      %dma_start3A_380 = arith.constant 0 : i32
      %dma_start3A_381 = arith.constant 0 : i32
      %dma_start3A_382 = tpu.memref_slice %arg6[%dma_start3A_380, %dma_start3A_381] : memref<10240x128xbf16, #tpu.memory_space<vmem_shared>> -> memref<10240x128xbf16, #tpu.memory_space<vmem_shared>>
      tpu.enqueue_indirect_dma source(%arg15 : memref<128x128xbf16, #tpu.memory_space<vmem>>) target(%dma_start3A_382 : memref<10240x128xbf16, #tpu.memory_space<vmem_shared>>) offsets(%arg11 : memref<128xi32, #tpu.memory_space<vmem>>) semaphore(%arg23 : memref<!tpu.dma_semaphore, #tpu.memory_space<semaphore_mem>>) {add = true}
      %eq3A_383 = arith.constant 1 : i32
      %eq3A_384 = arith.cmpi eq, %arg0, %eq3A_383 : i32
      %convert_element_type3A_385 = arith.extui %eq3A_384 : i1 to i32
      %cond3A_386 = arith.constant 0 : i32
      %cond3A_387 = arith.cmpi ne, %convert_element_type3A_385, %cond3A_386 : i32
      scf.if %cond3A_387 {
        %dma_start3A_388 = arith.constant 0 : i32
        %dma_start3A_389 = arith.constant 0 : i32
        %dma_start3A_390 = tpu.memref_slice %arg7[%dma_start3A_388, %dma_start3A_389] : memref<10240x16xf32, #tpu.memory_space<vmem_shared>> -> memref<10240x16xf32, #tpu.memory_space<vmem_shared>>
        tpu.enqueue_indirect_dma source(%arg16 : memref<128x16xf32, #tpu.memory_space<vmem>>) target(%dma_start3A_390 : memref<10240x16xf32, #tpu.memory_space<vmem_shared>>) offsets(%arg11 : memref<128xi32, #tpu.memory_space<vmem>>) semaphore(%arg25 : memref<!tpu.dma_semaphore, #tpu.memory_space<semaphore_mem>>) {add = true}
      } else {
      }
    }
    %scan3A_187 = arith.constant 40 : i32
    %eq3A = arith.constant 0 : i32
    %eq3A_188 = arith.cmpi eq, %arg0, %eq3A : i32
    %convert_element_type3A = arith.extui %eq3A_188 : i1 to i32
    %cond3A = arith.constant 0 : i32
    %cond3A_189 = arith.cmpi ne, %convert_element_type3A, %cond3A : i32
    scf.if %cond3A_189 {
      %dma_wait3A_204 = arith.constant 0 : i32
      %dma_wait3A_205 = arith.constant 0 : i32
      %dma_wait3A_206 = tpu.memref_slice %arg7[%dma_wait3A_204, %dma_wait3A_205] : memref<10240x16xf32, #tpu.memory_space<vmem_shared>> -> memref<10240x16xf32, #tpu.memory_space<vmem_shared>>
      tpu.wait_indirect_dma semaphore(%arg24 : memref<!tpu.dma_semaphore, #tpu.memory_space<semaphore_mem>>) src(%arg16 : memref<128x16xf32, #tpu.memory_space<vmem>>) dst(%dma_wait3A_206 : memref<10240x16xf32, #tpu.memory_space<vmem_shared>>)
    } else {
    }
    %dma_wait3A_190 = arith.constant 0 : i32
    %dma_wait3A_191 = arith.constant 0 : i32
    %dma_wait3A_192 = tpu.memref_slice %arg6[%dma_wait3A_190, %dma_wait3A_191] : memref<10240x128xbf16, #tpu.memory_space<vmem_shared>> -> memref<10240x128xbf16, #tpu.memory_space<vmem_shared>>
    tpu.wait_indirect_dma semaphore(%arg22 : memref<!tpu.dma_semaphore, #tpu.memory_space<semaphore_mem>>) src(%arg14 : memref<128x128xbf16, #tpu.memory_space<vmem>>) dst(%dma_wait3A_192 : memref<10240x128xbf16, #tpu.memory_space<vmem_shared>>)
    %eq3A_193 = arith.constant 1 : i32
    %eq3A_194 = arith.cmpi eq, %arg0, %eq3A_193 : i32
    %convert_element_type3A_195 = arith.extui %eq3A_194 : i1 to i32
    %cond3A_196 = arith.constant 0 : i32
    %cond3A_197 = arith.cmpi ne, %convert_element_type3A_195, %cond3A_196 : i32
    scf.if %cond3A_197 {
      %dma_wait3A_204 = arith.constant 0 : i32
      %dma_wait3A_205 = arith.constant 0 : i32
      %dma_wait3A_206 = tpu.memref_slice %arg7[%dma_wait3A_204, %dma_wait3A_205] : memref<10240x16xf32, #tpu.memory_space<vmem_shared>> -> memref<10240x16xf32, #tpu.memory_space<vmem_shared>>
      tpu.wait_indirect_dma semaphore(%arg25 : memref<!tpu.dma_semaphore, #tpu.memory_space<semaphore_mem>>) src(%arg16 : memref<128x16xf32, #tpu.memory_space<vmem>>) dst(%dma_wait3A_206 : memref<10240x16xf32, #tpu.memory_space<vmem_shared>>)
    } else {
    }
    %dma_wait3A_198 = arith.constant 0 : i32
    %dma_wait3A_199 = arith.constant 0 : i32
    %dma_wait3A_200 = tpu.memref_slice %arg6[%dma_wait3A_198, %dma_wait3A_199] : memref<10240x128xbf16, #tpu.memory_space<vmem_shared>> -> memref<10240x128xbf16, #tpu.memory_space<vmem_shared>>
    tpu.wait_indirect_dma semaphore(%arg23 : memref<!tpu.dma_semaphore, #tpu.memory_space<semaphore_mem>>) src(%arg15 : memref<128x128xbf16, #tpu.memory_space<vmem>>) dst(%dma_wait3A_200 : memref<10240x128xbf16, #tpu.memory_space<vmem_shared>>)
    %barrier3A_201 = arith.constant 0 : index
    tpu.barrier barrier_id(%barrier3A_201)
    %mul3A_202 = arith.constant 640 : i32
    %mul3A_203 = arith.muli %arg1, %mul3A_202 : i32
    "tpu.region"() ({
      %run_scoped3A = tpu.sem_alloc : memref<!tpu.dma_semaphore, #tpu.memory_space<semaphore_mem>>
      %dma_start3A_204 = arith.constant 0 : i32
      %dma_start3A_205 = tpu.memref_slice %arg4[%mul3A_203, %arg0, %dma_start3A_204] : memref<10240x2x128xbf16, #tpu.memory_space<hbm>> -> memref<640x1x128xbf16, #tpu.memory_space<hbm>>
      %dma_start3A_206 = tpu.memref_squeeze %dma_start3A_205 : memref<640x1x128xbf16, #tpu.memory_space<hbm>> -> memref<640x128xbf16, #tpu.memory_space<hbm>>
      %dma_start3A_207 = arith.constant 0 : i32
      %dma_start3A_208 = tpu.memref_slice %arg6[%mul3A_203, %dma_start3A_207] : memref<10240x128xbf16, #tpu.memory_space<vmem_shared>> -> memref<640x128xbf16, #tpu.memory_space<vmem_shared>>
      tpu.enqueue_dma source(%dma_start3A_208 : memref<640x128xbf16, #tpu.memory_space<vmem_shared>>) target(%dma_start3A_206 : memref<640x128xbf16, #tpu.memory_space<hbm>>) target_semaphore(%run_scoped3A : memref<!tpu.dma_semaphore, #tpu.memory_space<semaphore_mem>>)
      %dma_wait3A_209 = arith.constant 0 : i32
      %dma_wait3A_210 = tpu.memref_slice %arg4[%mul3A_203, %arg0, %dma_wait3A_209] : memref<10240x2x128xbf16, #tpu.memory_space<hbm>> -> memref<640x1x128xbf16, #tpu.memory_space<hbm>>
      %dma_wait3A_211 = tpu.memref_squeeze %dma_wait3A_210 : memref<640x1x128xbf16, #tpu.memory_space<hbm>> -> memref<640x128xbf16, #tpu.memory_space<hbm>>
      %dma_wait3A_212 = arith.constant 0 : i32
      %dma_wait3A_213 = tpu.memref_slice %arg6[%mul3A_203, %dma_wait3A_212] : memref<10240x128xbf16, #tpu.memory_space<vmem_shared>> -> memref<640x128xbf16, #tpu.memory_space<vmem_shared>>
      tpu.wait_dma2 semaphore(%run_scoped3A : memref<!tpu.dma_semaphore, #tpu.memory_space<semaphore_mem>>) src(%dma_wait3A_213 : memref<640x128xbf16, #tpu.memory_space<vmem_shared>>) dst(%dma_wait3A_211 : memref<640x128xbf16, #tpu.memory_space<hbm>>)
      tpu.yield
    }) : () -> ()
    "tpu.region"() ({
      %run_scoped3A = tpu.sem_alloc : memref<!tpu.dma_semaphore, #tpu.memory_space<semaphore_mem>>
      %dma_start3A_204 = arith.constant 0 : i32
      %dma_start3A_205 = tpu.memref_slice %arg5[%arg0, %mul3A_203, %dma_start3A_204] : memref<2x10240x16xf32, #tpu.memory_space<hbm>> -> memref<1x640x16xf32, #tpu.memory_space<hbm>>
      %dma_start3A_206 = tpu.memref_squeeze %dma_start3A_205 : memref<1x640x16xf32, #tpu.memory_space<hbm>> -> memref<640x16xf32, #tpu.memory_space<hbm>>
      %dma_start3A_207 = arith.constant 0 : i32
      %dma_start3A_208 = tpu.memref_slice %arg7[%mul3A_203, %dma_start3A_207] : memref<10240x16xf32, #tpu.memory_space<vmem_shared>> -> memref<640x16xf32, #tpu.memory_space<vmem_shared>>
      tpu.enqueue_dma source(%dma_start3A_208 : memref<640x16xf32, #tpu.memory_space<vmem_shared>>) target(%dma_start3A_206 : memref<640x16xf32, #tpu.memory_space<hbm>>) target_semaphore(%run_scoped3A : memref<!tpu.dma_semaphore, #tpu.memory_space<semaphore_mem>>)
      %dma_wait3A_209 = arith.constant 0 : i32
      %dma_wait3A_210 = tpu.memref_slice %arg5[%arg0, %mul3A_203, %dma_wait3A_209] : memref<2x10240x16xf32, #tpu.memory_space<hbm>> -> memref<1x640x16xf32, #tpu.memory_space<hbm>>
      %dma_wait3A_211 = tpu.memref_squeeze %dma_wait3A_210 : memref<1x640x16xf32, #tpu.memory_space<hbm>> -> memref<640x16xf32, #tpu.memory_space<hbm>>
      %dma_wait3A_212 = arith.constant 0 : i32
      %dma_wait3A_213 = tpu.memref_slice %arg7[%mul3A_203, %dma_wait3A_212] : memref<10240x16xf32, #tpu.memory_space<vmem_shared>> -> memref<640x16xf32, #tpu.memory_space<vmem_shared>>
      tpu.wait_dma2 semaphore(%run_scoped3A : memref<!tpu.dma_semaphore, #tpu.memory_space<semaphore_mem>>) src(%dma_wait3A_213 : memref<640x16xf32, #tpu.memory_space<vmem_shared>>) dst(%dma_wait3A_211 : memref<640x16xf32, #tpu.memory_space<hbm>>)
      tpu.yield
    }) : () -> ()
    return
  }
}

module attributes {stable_mosaic.version = 14 : i64} {
  func.func @_tcf(%arg0: i32, %arg1: i32, %arg2: memref<2000x256xf32, #tpu.memory_space<vmem>>, %arg3: memref<2000x256xbf16, #tpu.memory_space<vmem>>, %arg4: memref<2x2000x16xf32, #tpu.memory_space<vmem>>, %arg5: memref<8x256xf32, #tpu.memory_space<vmem>>, %arg6: memref<256x256xbf16, #tpu.memory_space<vmem>>, %arg7: memref<256x256xbf16, #tpu.memory_space<vmem>>, %arg8: memref<2000x256xf32, #tpu.memory_space<vmem>>, %arg9: memref<10000x256xf32, #tpu.memory_space<vmem>>, %arg10: memref<10000x256xf32, #tpu.memory_space<vmem>>, %arg11: memref<8x256xf32, #tpu.memory_space<vmem>>) attributes {dimension_semantics = [#tpu.dimension_semantics<arbitrary>, #tpu.dimension_semantics<arbitrary>], iteration_bounds = array<i64: 2, 5>, scalar_prefetch = 0 : i64, scratch_operands = 3 : i64, tpu.core_type = #tpu.core_type<tc>, window_params = [{transform_indices = @transform_0, window_bounds = array<i64: 2000, 256>}, {transform_indices = @transform_1, window_bounds = array<i64: 2000, 256>}, {transform_indices = @transform_2, window_bounds = array<i64: 2, 2000, 16>}, {pipeline_mode = #tpu.pipeline_mode<synchronous>, transform_indices = @transform_3, window_bounds = array<i64: 8, 256>}, {pipeline_mode = #tpu.pipeline_mode<synchronous>, transform_indices = @transform_4, window_bounds = array<i64: 256, 256>}, {pipeline_mode = #tpu.pipeline_mode<synchronous>, transform_indices = @transform_5, window_bounds = array<i64: 256, 256>}, {transform_indices = @transform_6, window_bounds = array<i64: 2000, 256>}]} {
    %eq3A = arith.constant 0 : i32
    %eq3A_0 = arith.cmpi eq, %arg0, %eq3A : i32
    %convert_element_type3A = arith.extui %eq3A_0 : i1 to i32
    %cond3A = arith.constant 0 : i32
    %cond3A_1 = arith.cmpi ne, %convert_element_type3A, %cond3A : i32
    scf.if %cond3A_1 {
      %get3A = arith.constant 0 : index
      %get3A_7 = arith.constant 0 : index
      %get3A_8 = vector.load %arg2[%get3A, %get3A_7] : memref<2000x256xf32, #tpu.memory_space<vmem>>, vector<2000x256xf32>
      %mul3A = arith.constant 2000 : i32
      %mul3A_9 = arith.muli %arg1, %mul3A : i32
      %swap3A = arith.index_cast %mul3A_9 : i32 to index
      %swap3A_10 = arith.constant 0 : index
      %swap3A_11 = vector.load %arg10[%swap3A, %swap3A_10] : memref<10000x256xf32, #tpu.memory_space<vmem>>, vector<2000x256xf32>
      tpu.vector_store %arg10[%swap3A, %swap3A_10], %get3A_8 {strides = array<i32>} : memref<10000x256xf32, #tpu.memory_space<vmem>>, vector<2000x256xf32>,
      %get3A_12 = arith.constant 0 : index
      %get3A_13 = arith.constant 0 : index
      %get3A_14 = arith.constant 0 : index
      %get3A_15 = vector.load %arg4[%get3A_12, %get3A_13, %get3A_14] : memref<2x2000x16xf32, #tpu.memory_space<vmem>>, vector<1x2000x1xf32>
      %get3A_16 = vector.shape_cast %get3A_15 : vector<1x2000x1xf32> to vector<2000x1xf32>
      %get3A_17 = arith.constant 1 : index
      %get3A_18 = arith.constant 0 : index
      %get3A_19 = arith.constant 0 : index
      %get3A_20 = vector.load %arg4[%get3A_17, %get3A_18, %get3A_19] : memref<2x2000x16xf32, #tpu.memory_space<vmem>>, vector<1x2000x1xf32>
      %get3A_21 = vector.shape_cast %get3A_20 : vector<1x2000x1xf32> to vector<2000x1xf32>
      %add3A = arith.addf %get3A_16, %get3A_21 : vector<2000x1xf32>
      %get3A_22 = arith.constant 0 : index
      %get3A_23 = arith.constant 0 : index
      %get3A_24 = vector.load %arg5[%get3A_22, %get3A_23] : memref<8x256xf32, #tpu.memory_space<vmem>>, vector<1x256xf32>
      %get3A_25 = arith.constant 0 : index
      %get3A_26 = arith.constant 0 : index
      %get3A_27 = vector.load %arg3[%get3A_25, %get3A_26] : memref<2000x256xbf16, #tpu.memory_space<vmem>>, vector<2000x256xbf16>
      %convert_element_type3A_28 = arith.extf %get3A_27 : vector<2000x256xbf16> to vector<2000x256xf32>
      %gt3A = arith.constant 0.000000e+00 : f32
      %gt3A_29 = vector.broadcast %gt3A : f32 to vector<2000x1xf32>
      %gt3A_30 = arith.cmpf ogt, %add3A, %gt3A_29 : vector<2000x1xf32>
      %mul3A_31 = vector.broadcast %get3A_24 : vector<1x256xf32> to vector<2000x256xf32>
      %mul3A_32 = arith.mulf %mul3A_31, %convert_element_type3A_28 : vector<2000x256xf32>
      %max3A = arith.constant 1.000000e+00 : f32
      %max3A_33 = vector.broadcast %max3A : f32 to vector<2000x1xf32>
      %max3A_34 = arith.maximumf %add3A, %max3A_33 : vector<2000x1xf32>
      %div3A = vector.broadcast %max3A_34 : vector<2000x1xf32> to vector<2000x256xf32>
      %div3A_35 = arith.divf %mul3A_32, %div3A : vector<2000x256xf32>
      %sub3A = arith.subf %get3A_8, %div3A_35 : vector<2000x256xf32>
      %jit3A = arith.constant 0.000000e+00 : f32
      %broadcast_in_dim3A = vector.shape_cast %gt3A_30 : vector<2000x1xi1> to vector<2000x1xi1>
      %broadcast_in_dim3A_36 = vector.broadcast %broadcast_in_dim3A : vector<2000x1xi1> to vector<2000x256xi1>
      %broadcast_in_dim3A_37 = vector.broadcast %jit3A : f32 to vector<2000x256xf32>
      %select_n3A = arith.select %broadcast_in_dim3A_36, %sub3A, %broadcast_in_dim3A_37 : vector<2000x256xi1>, vector<2000x256xf32>
      %convert_element_type3A_38 = arith.truncf %select_n3A : vector<2000x256xf32> to vector<2000x256xbf16>
      %get3A_39 = arith.constant 0 : index
      %get3A_40 = arith.constant 0 : index
      %get3A_41 = vector.load %arg6[%get3A_39, %get3A_40] : memref<256x256xbf16, #tpu.memory_space<vmem>>, vector<256x256xbf16>
      %dot_general3A = arith.constant dense<0.000000e+00> : vector<2000x256xf32>
      %dot_general3A_42 = tpu.matmul %convert_element_type3A_38, %get3A_41, %dot_general3A {dimension_numbers = #tpu.dot_dimension_numbers<[1], [0], [0], [1], [0, 0, 1, 1], [], []>, transpose_lhs_hint = false} : vector<2000x256xbf16>, vector<256x256xbf16>, vector<2000x256xf32> -> vector<2000x256xf32>
      %mul3A_43 = arith.constant 2000 : i32
      %mul3A_44 = arith.muli %arg1, %mul3A_43 : i32
      %swap3A_45 = arith.index_cast %mul3A_44 : i32 to index
      %swap3A_46 = arith.constant 0 : index
      %swap3A_47 = vector.load %arg9[%swap3A_45, %swap3A_46] : memref<10000x256xf32, #tpu.memory_space<vmem>>, vector<2000x256xf32>
      tpu.vector_store %arg9[%swap3A_45, %swap3A_46], %dot_general3A_42 {strides = array<i32>} : memref<10000x256xf32, #tpu.memory_space<vmem>>, vector<2000x256xf32>,
      %eq3A_48 = arith.constant 0 : i32
      %eq3A_49 = arith.cmpi eq, %arg1, %eq3A_48 : i32
      %convert_element_type3A_50 = arith.extui %eq3A_49 : i1 to i32
      %cond3A_51 = arith.constant 0 : i32
      %cond3A_52 = arith.cmpi ne, %convert_element_type3A_50, %cond3A_51 : i32
      scf.if %cond3A_52 {
        %broadcast_in_dim3A_73 = arith.constant 0.000000e+00 : f32
        %broadcast_in_dim3A_74 = vector.broadcast %broadcast_in_dim3A_73 : f32 to vector<8x256xf32>
        %swap3A_75 = arith.constant 0 : index
        %swap3A_76 = arith.constant 0 : index
        %swap3A_77 = vector.load %arg11[%swap3A_75, %swap3A_76] : memref<8x256xf32, #tpu.memory_space<vmem>>, vector<8x256xf32>
        tpu.vector_store %arg11[%swap3A_75, %swap3A_76], %broadcast_in_dim3A_74 {strides = array<i32>} : memref<8x256xf32, #tpu.memory_space<vmem>>, vector<8x256xf32>,
      } else {
      }
      %get3A_53 = arith.constant 0 : index
      %get3A_54 = arith.constant 0 : index
      %get3A_55 = vector.load %arg11[%get3A_53, %get3A_54] : memref<8x256xf32, #tpu.memory_space<vmem>>, vector<1x256xf32>
      %reduce_sum3A = arith.constant dense<0.000000e+00> : vector<256xf32>
      %reduce_sum3A_56 = vector.multi_reduction <add>, %dot_general3A_42, %reduce_sum3A [0] : vector<2000x256xf32> to vector<256xf32>
      %broadcast_in_dim3A_57 = vector.shape_cast %reduce_sum3A_56 : vector<256xf32> to vector<1x256xf32>
      %add3A_58 = arith.addf %get3A_55, %broadcast_in_dim3A_57 : vector<1x256xf32>
      %swap3A_59 = arith.constant 0 : index
      %swap3A_60 = arith.constant 0 : index
      %swap3A_61 = vector.load %arg11[%swap3A_59, %swap3A_60] : memref<8x256xf32, #tpu.memory_space<vmem>>, vector<1x256xf32>
      tpu.vector_store %arg11[%swap3A_59, %swap3A_60], %add3A_58 {strides = array<i32>} : memref<8x256xf32, #tpu.memory_space<vmem>>, vector<1x256xf32>,
      %get3A_62 = arith.constant 1 : index
      %get3A_63 = arith.constant 0 : index
      %get3A_64 = vector.load %arg11[%get3A_62, %get3A_63] : memref<8x256xf32, #tpu.memory_space<vmem>>, vector<1x256xf32>
      %mul3A_65 = arith.mulf %dot_general3A_42, %dot_general3A_42 : vector<2000x256xf32>
      %reduce_sum3A_66 = arith.constant dense<0.000000e+00> : vector<256xf32>
      %reduce_sum3A_67 = vector.multi_reduction <add>, %mul3A_65, %reduce_sum3A_66 [0] : vector<2000x256xf32> to vector<256xf32>
      %broadcast_in_dim3A_68 = vector.shape_cast %reduce_sum3A_67 : vector<256xf32> to vector<1x256xf32>
      %add3A_69 = arith.addf %get3A_64, %broadcast_in_dim3A_68 : vector<1x256xf32>
      %swap3A_70 = arith.constant 1 : index
      %swap3A_71 = arith.constant 0 : index
      %swap3A_72 = vector.load %arg11[%swap3A_70, %swap3A_71] : memref<8x256xf32, #tpu.memory_space<vmem>>, vector<1x256xf32>
      tpu.vector_store %arg11[%swap3A_70, %swap3A_71], %add3A_69 {strides = array<i32>} : memref<8x256xf32, #tpu.memory_space<vmem>>, vector<1x256xf32>,
    } else {
    }
    %eq3A_2 = arith.constant 1 : i32
    %eq3A_3 = arith.cmpi eq, %arg0, %eq3A_2 : i32
    %convert_element_type3A_4 = arith.extui %eq3A_3 : i1 to i32
    %cond3A_5 = arith.constant 0 : i32
    %cond3A_6 = arith.cmpi ne, %convert_element_type3A_4, %cond3A_5 : i32
    scf.if %cond3A_6 {
      %get3A = arith.constant 0 : index
      %get3A_7 = arith.constant 0 : index
      %get3A_8 = vector.load %arg11[%get3A, %get3A_7] : memref<8x256xf32, #tpu.memory_space<vmem>>, vector<1x256xf32>
      %mul3A = arith.constant 9.99999974E-5 : f32
      %mul3A_9 = vector.broadcast %mul3A : f32 to vector<1x256xf32>
      %mul3A_10 = arith.mulf %get3A_8, %mul3A_9 : vector<1x256xf32>
      %get3A_11 = arith.constant 1 : index
      %get3A_12 = arith.constant 0 : index
      %get3A_13 = vector.load %arg11[%get3A_11, %get3A_12] : memref<8x256xf32, #tpu.memory_space<vmem>>, vector<1x256xf32>
      %mul3A_14 = arith.constant 9.99999974E-5 : f32
      %mul3A_15 = vector.broadcast %mul3A_14 : f32 to vector<1x256xf32>
      %mul3A_16 = arith.mulf %get3A_13, %mul3A_15 : vector<1x256xf32>
      %mul3A_17 = arith.mulf %mul3A_10, %mul3A_10 : vector<1x256xf32>
      %sub3A = arith.subf %mul3A_16, %mul3A_17 : vector<1x256xf32>
      %add3A = arith.constant 9.99999974E-6 : f32
      %add3A_18 = vector.broadcast %add3A : f32 to vector<1x256xf32>
      %add3A_19 = arith.addf %sub3A, %add3A_18 : vector<1x256xf32>
      %rsqrt3A = math.rsqrt %add3A_19 : vector<1x256xf32>
      %get3A_20 = arith.constant 1 : index
      %get3A_21 = arith.constant 0 : index
      %get3A_22 = vector.load %arg5[%get3A_20, %get3A_21] : memref<8x256xf32, #tpu.memory_space<vmem>>, vector<1x256xf32>
      %get3A_23 = arith.constant 2 : index
      %get3A_24 = arith.constant 0 : index
      %get3A_25 = vector.load %arg5[%get3A_23, %get3A_24] : memref<8x256xf32, #tpu.memory_space<vmem>>, vector<1x256xf32>
      %get3A_26 = arith.constant 3 : index
      %get3A_27 = arith.constant 0 : index
      %get3A_28 = vector.load %arg5[%get3A_26, %get3A_27] : memref<8x256xf32, #tpu.memory_space<vmem>>, vector<1x256xf32>
      %mul3A_29 = arith.constant 2000 : i32
      %mul3A_30 = arith.muli %arg1, %mul3A_29 : i32
      %get3A_31 = arith.index_cast %mul3A_30 : i32 to index
      %get3A_32 = arith.constant 0 : index
      %get3A_33 = vector.load %arg9[%get3A_31, %get3A_32] : memref<10000x256xf32, #tpu.memory_space<vmem>>, vector<2000x256xf32>
      %sub3A_34 = vector.broadcast %mul3A_10 : vector<1x256xf32> to vector<2000x256xf32>
      %sub3A_35 = arith.subf %get3A_33, %sub3A_34 : vector<2000x256xf32>
      %mul3A_36 = vector.broadcast %rsqrt3A : vector<1x256xf32> to vector<2000x256xf32>
      %mul3A_37 = arith.mulf %sub3A_35, %mul3A_36 : vector<2000x256xf32>
      %mul3A_38 = vector.broadcast %get3A_22 : vector<1x256xf32> to vector<2000x256xf32>
      %mul3A_39 = arith.mulf %mul3A_37, %mul3A_38 : vector<2000x256xf32>
      %add3A_40 = vector.broadcast %get3A_25 : vector<1x256xf32> to vector<2000x256xf32>
      %add3A_41 = arith.addf %mul3A_39, %add3A_40 : vector<2000x256xf32>
      %max3A = arith.constant 0.000000e+00 : f32
      %max3A_42 = vector.broadcast %max3A : f32 to vector<2000x256xf32>
      %max3A_43 = arith.maximumf %add3A_41, %max3A_42 : vector<2000x256xf32>
      %mul3A_44 = arith.constant 2000 : i32
      %mul3A_45 = arith.muli %arg1, %mul3A_44 : i32
      %get3A_46 = arith.index_cast %mul3A_45 : i32 to index
      %get3A_47 = arith.constant 0 : index
      %get3A_48 = vector.load %arg10[%get3A_46, %get3A_47] : memref<10000x256xf32, #tpu.memory_space<vmem>>, vector<2000x256xf32>
      %convert_element_type3A_49 = arith.truncf %max3A_43 : vector<2000x256xf32> to vector<2000x256xbf16>
      %get3A_50 = arith.constant 0 : index
      %get3A_51 = arith.constant 0 : index
      %get3A_52 = vector.load %arg7[%get3A_50, %get3A_51] : memref<256x256xbf16, #tpu.memory_space<vmem>>, vector<256x256xbf16>
      %dot_general3A = arith.constant dense<0.000000e+00> : vector<2000x256xf32>
      %dot_general3A_53 = tpu.matmul %convert_element_type3A_49, %get3A_52, %dot_general3A {dimension_numbers = #tpu.dot_dimension_numbers<[1], [0], [0], [1], [0, 0, 1, 1], [], []>, transpose_lhs_hint = false} : vector<2000x256xbf16>, vector<256x256xbf16>, vector<2000x256xf32> -> vector<2000x256xf32>
      %add3A_54 = arith.addf %get3A_48, %dot_general3A_53 : vector<2000x256xf32>
      %add3A_55 = vector.broadcast %get3A_28 : vector<1x256xf32> to vector<2000x256xf32>
      %add3A_56 = arith.addf %add3A_54, %add3A_55 : vector<2000x256xf32>
      %swap3A = arith.constant 0 : index
      %swap3A_57 = arith.constant 0 : index
      %swap3A_58 = vector.load %arg8[%swap3A, %swap3A_57] : memref<2000x256xf32, #tpu.memory_space<vmem>>, vector<2000x256xf32>
      tpu.vector_store %arg8[%swap3A, %swap3A_57], %add3A_56 {strides = array<i32>} : memref<2000x256xf32, #tpu.memory_space<vmem>>, vector<2000x256xf32>,
    } else {
    }
    return
  }
  func.func @transform_0(%arg0: i32, %arg1: i32) -> (i32, i32) {
    %sub3A = arith.constant 1 : i32
    %sub3A_0 = arith.subi %sub3A, %arg0 : i32
    %mul3A = arith.muli %arg1, %sub3A_0 : i32
    %c0_i32 = arith.constant 0 : i32
    %c0_i32_1 = arith.constant 0 : i32
    return %mul3A, %c0_i32 : i32, i32
  }
  func.func @transform_1(%arg0: i32, %arg1: i32) -> (i32, i32) {
    %sub3A = arith.constant 1 : i32
    %sub3A_0 = arith.subi %sub3A, %arg0 : i32
    %mul3A = arith.muli %arg1, %sub3A_0 : i32
    %c0_i32 = arith.constant 0 : i32
    %c0_i32_1 = arith.constant 0 : i32
    return %mul3A, %c0_i32 : i32, i32
  }
  func.func @transform_2(%arg0: i32, %arg1: i32) -> (i32, i32, i32) {
    %sub3A = arith.constant 1 : i32
    %sub3A_0 = arith.subi %sub3A, %arg0 : i32
    %mul3A = arith.muli %arg1, %sub3A_0 : i32
    %c0_i32 = arith.constant 0 : i32
    %c0_i32_1 = arith.constant 0 : i32
    %c0_i32_2 = arith.constant 0 : i32
    return %c0_i32, %mul3A, %c0_i32_1 : i32, i32, i32
  }
  func.func @transform_3(%arg0: i32, %arg1: i32) -> (i32, i32) {
    %c0_i32 = arith.constant 0 : i32
    %c0_i32_0 = arith.constant 0 : i32
    %c0_i32_1 = arith.constant 0 : i32
    return %c0_i32, %c0_i32_0 : i32, i32
  }
  func.func @transform_4(%arg0: i32, %arg1: i32) -> (i32, i32) {
    %c0_i32 = arith.constant 0 : i32
    %c0_i32_0 = arith.constant 0 : i32
    %c0_i32_1 = arith.constant 0 : i32
    return %c0_i32, %c0_i32_0 : i32, i32
  }
  func.func @transform_5(%arg0: i32, %arg1: i32) -> (i32, i32) {
    %c0_i32 = arith.constant 0 : i32
    %c0_i32_0 = arith.constant 0 : i32
    %c0_i32_1 = arith.constant 0 : i32
    return %c0_i32, %c0_i32_0 : i32, i32
  }
  func.func @transform_6(%arg0: i32, %arg1: i32) -> (i32, i32) {
    %c0_i32 = arith.constant 0 : i32
    %c0_i32_0 = arith.constant 0 : i32
    return %arg1, %c0_i32 : i32, i32
  }
}

</mosaic_0001>

<sc_bundles>
// kernel: kernel.4.cloned.1.call-start
scs
__scs_entry_jumppad:
0x0: {  	(pc) =	sbr.rel $0x88, $3  }
0x1: {  	(tag) =	ssettag $0x0;
	lr =	simm.s32 $0x1  }
0x2: {  	[smem:$0x3F99] =	sst lr;
	_ =	strace $0xD0000000  }
0x3: {  	_ = 	snop  }
0x4: {  	_ = 	snop  }
0x5: {  	_ = 	snop  }
0x6: {  	_ = 	snop  }
0x7: {  	_ = 	snop  }
__scs_overlays_trampoline_lowered:
0x8: {  	[smem:$0x3FA8] =	sst s0  }
0x9: {  	[smem:$0x3FA9] =	sst s1  }
0xa: {  	[smem:$0x3FAA] =	sst s2  }
0xb: {  	[smem:$0x3FAB] =	sst s3  }
0xc: {  	[smem:$0x3FAC] =	sst s4  }
0xd: {  	[smem:$0x3FAD] =	sst s5  }
0xe: {  	[smem:$0x3FAE] =	sst s6  }
0xf: {  	[smem:$0x3FAF] =	sst s7  }
0x10: {  	[smem:$0x3FB0] =	sst s8  }
0x11: {  	[smem:$0x3FB1] =	sst s9;
	s0 =	simm.s32 @!p0 $0x0  }
0x12: {  	s1 =	sld [smem:$0x3F97];
	s0 =	simm.s32 @p0 $0x1  }
0x13: {  	[smem:$0x3FB2] =	sst s0;
	s0 =	simm.s32 @!p1 $0x0  }
0x14: {  	s2 =	sld [smem:$0x3F96];
	s0 =	simm.s32 @p1 $0x1  }
0x15: {  	[smem:$0x3FB3] =	sst s0;
	s0 =	simm.s32 @!p2 $0x0  }
0x16: {  	s3 =	sld [smem:$0x3FDB];
	s0 =	simm.s32 @p2 $0x1  }
0x17: {  	s4 =	simm.s32 $0x1BF5;
	[smem:$0x3FB5] =	sst s0  }
0x18: {  	s0 =	sld [smem:$0x3F98];
	_ =	swait.ge [sflag:s4], $0x0  }
0x19: {  	s7 =	sld [smem:$0x3F99]  }
0x1a: {  	s8 =	sadd.s32 $0xFFFFE003, lr  }
0x1b: {  	s9 =	sadd.s32 $0xFFFFFEF7, lr;
	s5 =	simm.s32 $0xFFFFFFFF;
	p2 =	slt.u32 s8, $0xFFFFF086  }
0x1c: {  	p1 =	slt.u32 s9, $0xF7A;
	s5 =	simm.s32 @!p2 $0x0  }
0x1d: {  	s5 =	simm.s32 @p1 $0x1;
	p0 =	seq.s32 s7, s2  }
0x1e: {  	s7 =	smul.u32 @!p0 $0xF7A, s2;
	p2 =	seq.s32 @!p0 s5, $0x0  }
0x1f: {  	s9 =	smul.u32 $0xF7A, s1;
	s8 =	simm.s32 @!p0 $0x1BF5;
	p2 =	por !p2, p0  }
0x20: {  	[sflag:s8] =	ssyncset.s32 @!p0 $0xFFFFF086;
	s6 =	sadd.s32 @!p0 s3, s7;
	s7 =	simm.s32 @!p0 $0x108  }
0x21: {  	s3 =	sadd.s32 s3, s9;
	s6 =	sadd.s32 @!p0 $0x88, s6;
	s7 =	simm.s32 @p2 $0x1082  }
0x22: {  	[simem:s7], [sflag:s8] =	dma.local @!p0 [hbm:s6], $0xF7A  }
0x23: {  	s9 =	sor.u32 $0xD0000000, s2;
	s6 =	simm.s32 $0x108;
	_ =	swait.ge @!p0 [sflag:s8], $0x0  }
0x24: {  	s3 =	sadd.s32 $0x88, s3;
	s6 =	simm.s32 @!p1 $0x1082;
	[sflag:s4] =	ssyncset.s32 $0xFFFFF086  }
0x25: {  	[simem:s6], [sflag:s4] =	dma.local [hbm:s3], $0xF7A  }
0x26: {  	[smem:$0x3F99] =	sst s1;
	(tag) =	ssettag s2;
	_ =	strace s9  }
0x27: {  	s1 =	sld [smem:$0x3FA9]  }
0x28: {  	s2 =	sld [smem:$0x3FAA]  }
0x29: {  	s4 =	sld [smem:$0x3FAC]  }
0x2a: {  	p0 =	seq.s32 s5, $0x0;
	s5 =	sld [smem:$0x3FAD]  }
0x2b: {  	s6 =	sld [smem:$0x3FAE]  }
0x2c: {  	s7 =	sld [smem:$0x3FAF]  }
0x2d: {  	s3 =	simm.s32 $0x108;
	s8 =	sld [smem:$0x3FB0]  }
0x2e: {  	s3 =	simm.s32 @!p0 $0x1082;
	s9 =	sld [smem:$0x3FB1]  }
0x2f: {  	lr =	sadd.s32 s0, s3;
	s0 =	sld [smem:$0x3FA8]  }
0x30: {  	s3 =	sld [smem:$0x3FAB]  }
0x31: {  	[smem:$0x3FB4] =	sst s10  }
0x32: {  	s10 =	sld [smem:$0x3FB2];
	_ =	sdelay $0x3  }
0x33: {  	p0 =	seq.s32 s10, $0x1;
	s10 =	sld [smem:$0x3FB4];
	_ =	sdelay $0x3  }
0x34: {  	[smem:$0x3FB4] =	sst s10  }
0x35: {  	s10 =	sld [smem:$0x3FB3];
	_ =	sdelay $0x3  }
0x36: {  	p1 =	seq.s32 s10, $0x1;
	s10 =	sld [smem:$0x3FB4];
	_ =	sdelay $0x3  }
0x37: {  	[smem:$0x3FB4] =	sst s10  }
0x38: {  	s10 =	sld [smem:$0x3FB5]  }
0x39: {  	_ = 	snop;
	(pc) =	sbr.ind lr, $3  }
0x3a: {  	_ = 	snop  }
0x3b: {  	_ = 	snop  }
0x3c: {  	p2 =	seq.s32 s10, $0x1;
	s10 =	sld [smem:$0x3FB4]  }
0x3d: {  	_ =	shalt  }
0x3e: {  	_ =	shalt  }
0x3f: {  	_ =	shalt  }
0x40: {  	_ =	shalt  }
0x41: {  	_ =	shalt  }
0x42: {  	_ =	shalt  }
0x43: {  	_ =	shalt  }
0x44: {  	_ =	shalt  }
0x45: {  	_ =	shalt  }
0x46: {  	_ =	shalt  }
0x47: {  	_ =	shalt  }
0x48: {  	_ =	shalt  }
0x49: {  	_ =	shalt  }
0x4a: {  	_ =	shalt  }
0x4b: {  	_ =	shalt  }
0x4c: {  	_ =	shalt  }
0x4d: {  	_ =	shalt  }
0x4e: {  	_ =	shalt  }
0x4f: {  	_ =	shalt  }
0x50: {  	_ =	shalt  }
0x51: {  	_ =	shalt  }
0x52: {  	_ =	shalt  }
0x53: {  	_ =	shalt  }
0x54: {  	_ =	shalt  }
0x55: {  	_ =	shalt  }
0x56: {  	_ =	shalt  }
0x57: {  	_ =	shalt  }
0x58: {  	_ =	shalt  }
0x59: {  	_ =	shalt  }
0x5a: {  	_ =	shalt  }
0x5b: {  	_ =	shalt  }
0x5c: {  	_ =	shalt  }
0x5d: {  	_ =	shalt  }
0x5e: {  	_ =	shalt  }
0x5f: {  	_ =	shalt  }
0x60: {  	_ =	shalt  }
0x61: {  	_ =	shalt  }
0x62: {  	_ =	shalt  }
0x63: {  	_ =	shalt  }
0x64: {  	_ =	shalt  }
0x65: {  	_ =	shalt  }
0x66: {  	_ =	shalt  }
0x67: {  	_ =	shalt  }
0x68: {  	_ =	shalt  }
0x69: {  	_ =	shalt  }
0x6a: {  	_ =	shalt  }
0x6b: {  	_ =	shalt  }
0x6c: {  	_ =	shalt  }
0x6d: {  	_ =	shalt  }
0x6e: {  	_ =	shalt  }
0x6f: {  	_ =	shalt  }
0x70: {  	_ =	shalt  }
0x71: {  	_ =	shalt  }
0x72: {  	_ =	shalt  }
0x73: {  	_ =	shalt  }
0x74: {  	_ =	shalt  }
0x75: {  	_ =	shalt  }
0x76: {  	_ =	shalt  }
0x77: {  	_ =	shalt  }
0x78: {  	_ =	shalt  }
0x79: {  	_ =	shalt  }
0x7a: {  	_ =	shalt  }
0x7b: {  	_ =	shalt  }
0x7c: {  	_ =	shalt  }
0x7d: {  	_ =	shalt  }
0x7e: {  	_ =	shalt  }
0x7f: {  	_ =	shalt  }
0x80: {  	_ =	shalt  }
0x81: {  	_ =	shalt  }
0x82: {  	_ =	shalt  }
0x83: {  	_ =	shalt  }
0x84: {  	_ =	shalt  }
0x85: {  	_ =	shalt  }
0x86: {  	_ =	shalt  }
0x87: {  	_ =	shalt  }
.Lfunc_end0:
.L_simem_size_0:
called_computation_lowered:
.L_overlay_start_0:
0x88: {  	s2 =	sld [smem:$0x3FD9]  }
0x89: {  	s3 =	sld [smem:$0x3FFE];
	_ =	sdelay $0x1  }
0x8a: {  	s1 =	srdreg.scid  }
0x8b: {  	s0 =	sand.u32 $0x1, s1  }
0x8c: {  	s17 =	sshll.u32 s0, $0xA;
	s2 =	sadd.s32 s3, s2  }
0x8d: {  	s2 =	sadd.s32 s2, s17  }
0x8e: {  	[smem:$0x3FC0] =	sst s2  }
0x8f: {  	_ = 	snop  }
0x90: {  	s2 =	sld [smem:$0x3FD0];
	(tm) =	ssettm $0x1  }
0x91: {  	s18 =	sld [smem:$0x3FFB];
	_ =	sdelay $0x3  }
0x92: {  	_ =	strace s18  }
0x93: {  	s3 =	sld [smem:$0x3FFC];
	_ =	sdelay $0x3  }
0x94: {  	_ =	strace s3  }
0x95: {  	s3 =	sld [smem:$0x3FFD];
	_ =	sdelay $0x3  }
0x96: {  	_ =	strace s3  }
0x97: {  	_ =	strace $0x8FFFFFFF  }
0x98: {  	s19 =	sld [smem:$0x3FDB];
	_ =	sdelay $0x1  }
0x99: {  	s4 =	simm.s32 $_scs_section_size  }
0x9a: {  	s5 =	simm.s32 $_size__tile_overlayer_lowered;
	s6 =	simm.s32 $_tile_overlayer_lowered  }
0x9b: {  	s22 =	simm.s32 $0x1BFF;
	s21 =	sshll.u32 s6, $0x1;
	s3 =	sadd.s32 s4, s19  }
0x9c: {  	s7 =	simm.s32 $0x0;
	s20 =	sshll.u32 s5, $0x1;
	s5 =	sadd.s32 s21, s3  }
0x9d: {  	[timem:s7], [sflag:s22] =	dma.local [hbm:s5], s20  }
0x9e: {  	_ =	swait.ge [sflag:s22], s20  }
0x9f: {  	s4 =	ssub.s32 $0x0, s20;
	[sflag:s22] =	ssyncset.done $0x0  }
0xa0: {  	[sflag:s22] =	ssyncadd.s32 s4;
	_ =	sdelay $0x1  }
0xa1: {  	s23 =	simm.s32 $0x1B8B  }
0xa2: {  	_ =	swait.ge [sflag:s23], $0x1  }
0xa3: {  	[sflag:s23] =	ssyncset.done $0x0  }
0xa4: {  	s25 =	simm.s32 $0x1B8E;
	s24 =	sld [smem:$0x3FFE];
	[sflag:s23] =	ssyncadd.s32 $0xFFFFFFFF  }
0xa5: {  	s26 =	simm.s32 $execute0_lowered;
	[smem:$0x3FD2] =	sst s25  }
0xa6: {  	s5 =	sshll.u32 s26, $0x1;
	_ =	strace $0x80000046;
	[dreg:$0x1] =	wrdreg $0xFFFFFFFF  }
0xa7: {  	s28 =	simm.s32 $_size_execute0_lowered;
	s3 =	sadd.s32 s3, s5;
	[dreg:$0x0] =	wrdreg $0x0  }
0xa8: {  	s5 =	sshll.u32 s28, $0x1;
	[dreg:$0x2] =	wrdreg s3  }
0xa9: {  	[dreg:$0x3] =	wrdreg s5  }
0xaa: {  	[dreg:$0x4] =	wrdreg $0xC0  }
0xab: {  	_ =	task [dreg:s7], $0x5FFFF  }
0xac: {  	[dreg:$0x1] =	wrdreg $0xFFFFFFFF  }
0xad: {  	[dreg:$0x0] =	wrdreg $0x60  }
0xae: {  	[dreg:$0x2] =	wrdreg s24  }
0xaf: {  	[dreg:$0x3] =	wrdreg s2  }
0xb0: {  	[dreg:$0x4] =	wrdreg $0x0  }
0xb1: {  	[dreg:$0x5] =	wrdreg $0xA0000  }
0xb2: {  	[dreg:$0x6] =	wrdreg $0x9  }
0xb3: {  	_ =	task.clear_ibuf [dreg:s7], $0x7FFFF;
	_ =	strace $0x90000046  }
0xb4: {  	s29 =	simm.s32 $0x9;
	_ =	strace $0x80000048  }
0xb5: {  	_ =	swait.ge [sflag:s29], $0x1  }
0xb6: {  	[sflag:s29] =	ssyncadd.s32 $0xFFFFFFFF  }
0xb7: {  	_ =	strace $0x90000048  }
0xb8: {  	_ =	sfence  }
0xb9: {  	s30 =	sld [smem:$0x0];
	_ =	sdelay $0x2  }
0xba: {  	s31 =	sshll.u32 s1, $0xD;
	s1 =	sshrl.u32 s1, $0x2  }
0xbb: {  	s3 =	sand.u32 $0x4000, s31;
	s1 =	sadd.s32 s1, s30  }
0xbc: {  	s0 =	sor.u32 s3, s0;
	s1 =	sshll.u32 s1, $0x11  }
0xbd: {  	s0 =	sor.u32 s1, s0  }
0xbe: {  	s0 =	sadd.s32 $0x8F2B, s0  }
0xbf: {  	[sflag:s0] =	ssyncadd.remote.s32 $0x1  }
0xc0: {  	_ =	sfence.sel $0xFFFF  }
0xc1: {  	[dreg:$0x0] =	wrdreg $0xFFFFFFFF;
	(pc) =	sbr.abs _section_cstart, $3  }
0xc2: {  	[dreg:$0x1] =	wrdreg $0xFFFFFFFF  }
0xc3: {  	_ =	task.clear_ibuf [dreg:s7], $0x2FFFF;
	_ =	strace $0x9FFFFFFF  }
0xc4: {  	(tm) =	ssettm $0x7FFFFFFF  }
0xc5: {  	_ =	shalt  }
tec
execute0_lowered:
.L_overlay_start_1:
0x0: {  	(tag) =	ssettag $0x1  }
0x1: {  	s0 =	rddreg [dreg:$0x0]  }
0x2: {  	s1 =	rddreg [dreg:$0x1]  }
0x3: {  	s2 =	rddreg [dreg:$0x2]  }
0x4: {  	s3 =	rddreg [dreg:$0x3]  }
0x5: {  	s5 =	srdreg.scid;
	s16 =	stileid.u32;
	s4 =	simm.s32 $0x0  }
0x6: {  	s28 =	simm.s32 $0x3;
	s29 =	simm.s32 $0x80;
	s8 =	smul.u32 $0x2800, s16  }
0x7: {  	s30 =	simm.s32 $0xCB00;
	s31 =	simm.s32 $0xC900;
	s10 =	smul.u32 $0x28000, s16  }
0x8: {  	s5 =	sand.u32 $0x1, s5;
	[smem:$0x7FF] =	sst s4;
	s12 =	smul.u32 $0x280, s16  }
0x9: {  	s6 =	sadd.s32 $0xB200, s0;
	s9 =	sadd.s32 $0x1200, s0;
	s21 =	smul.u32 $0x5000, s16  }
0xa: {  	s7 =	smul.u32 $0x28000, s5;
	_ =	strace $0x80000047;
	s11 =	ssub.s32 $0x2, s5  }
0xb: {  	s22 =	sshll.u32 s5, $0x7;
	p0 =	seq.s32 s5, $0x0;
	p1 =	sne.s32 s5, $0x0  }
0xc: {  	s25 =	sshrl.u32 s11, $0x1;
	s13 =	sshrl.u32 s10, $0x2;
	s26 =	sadd.s32 $0x80, s12  }
0xd: {  	s15 =	sadd.s32 $0x100, s12;
	s23 =	sshrl.u32 s21, $0x3;
	s10 =	sor.u32 s22, s10  }
0xe: {  	s7 =	sadd.s32 s8, s7;
	s11 =	ssub.s32 s11, s25;
	s8 =	sadd.s32 s8, s3  }
0xf: {  	s14 =	sshll.u32 s26, $0x6;
	s17 =	sshll.u32 s15, $0x6;
	s24 =	sadd.s32 s9, s23  }
0x10: {  	s10 =	sshrl.u32 s10, $0x4;
	s25 =	smul.u32 $0xA00, s16;
	s23 =	simm.s32 $0xCC00  }
0x11: {  	s16 =	simm.s32 $0x0;
	s7 =	sshrl.u32 s7, $0x3;
	s14 =	sadd.s32 s14, s2  }
0x12: {  	[dreg:$0xd] =	wrdreg s24;
	s1 =	sadd.s32 s1, s10;
	s10 =	simm.s32 $0xEC00  }
0x13: {  	s0 =	sadd.s32 s7, s0;
	s7 =	sadd.s32 s13, s2;
	[dreg:$0x5] =	wrdreg s14  }
0x14: {  	s13 =	sshll.u32 s26, $0x4;
	s14 =	sadd.s32 s17, s2;
	[dreg:$0xf] =	wrdreg s1  }
0x15: {  	s26 =	smax.u32 s11, $0x1;
	s22 =	sadd.s32 s25, s9;
	s25 =	simm.s32 $0x11400  }
0x16: {  	s1 =	simm.s32 $0x1;
	s9 =	simm.s32 $0xCB80;
	s11 =	simm.s32 $0xCA00  }
0x17: {  	s13 =	sadd.s32 s13, s3;
	[dreg:$0x7] =	wrdreg s14;
	s0 =	sadd.s32 $0x32400, s0  }
0x18: {  	[dreg:$0x11] =	wrdreg s26;
	s26 =	simm.s32 $0xC800;
	s14 =	simm.s32 $0x2  }
0x19: {  	[dreg:$0x6] =	wrdreg s13;
	s13 =	sshll.u32 s15, $0x4;
	s15 =	sadd.s32 $0x180, s12  }
0x1a: {  	s12 =	sadd.s32 $0x200, s12;
	[dreg:$0x10] =	wrdreg s0;
	s13 =	sadd.s32 s13, s3  }
0x1b: {  	s18 =	sshll.u32 s15, $0x6;
	s19 =	sshll.u32 s15, $0x4;
	s20 =	sshll.u32 s12, $0x6  }
0x1c: {  	s12 =	sshll.u32 s12, $0x4;
	[dreg:$0x8] =	wrdreg s13;
	s13 =	sadd.s32 s18, s2  }
.Ltmp0:
0x1d: {  	s12 =	sadd.s32 s12, s3;
	[dreg:$0x9] =	wrdreg s13;
	(pc) =	sbr.rel .LBB2_1-.Ltmp0, $4  }
0x1e: {  	s0 =	simm.s32 $0x4;
	s13 =	sadd.s32 s19, s3;
	[dreg:$0xc] =	wrdreg s12  }
0x1f: {  	s15 =	simm.s32 $0xCA80;
	[dreg:$0xa] =	wrdreg s13;
	s13 =	sadd.s32 s20, s2  }
0x20: {  	v1 =	vimm.bf16 $0.0e+00;
	s12 =	simm.s32 $0x6;
	[dreg:$0xb] =	wrdreg s13;
	s13 =	sadd.s32 $0x20, s24  }
0x21: {  	v2 =	vimm.f32 $1.000000000e+00;
	v3 =	vimm.f32 $0.0e+00;
	v0 =	vmov s5;
	s24 =	simm.s32 $0x9;
	[dreg:$0xe] =	wrdreg s13;
	s13 =	simm.s32 $0x5  }
.LBB2_7:
0x22: {  	[spmem:s2] =	stream.indirect.scatter.add.bf16 [tilespmem:s23], [sflag:$0x5], $0x40, s11, s29, $0xb8;
	[tilespmem:$0x11C00] =	vst v63  }
0x23: {  	s18 =	simm.s32 @p0 $0x80;
	s19 =	simm.s32 @p0 $0xCA00;
	s20 =	simm.s32 @p0 $0x10C00  }
0x24: {  	[spmem:s3] =	stream.indirect.scatter.add.f32 @p0 [tilespmem:s20], [sflag:$0x7], $0x10, s19, s18, $0xb8;
	[tilespmem:$0x11C00] =	vst v63  }
0x25: {  	s19 =	simm.s32 @p0 $0x2  }
0x26: {  	_ =	swait.ge @p0 [sflag:s19], $0x2000  }
0x27: {  	[sflag:s19] =	ssyncset.done @p0 $0x0  }
0x28: {  	s20 =	simm.s32 @p0 $0xEC00;
	[sflag:s19] =	ssyncadd.s32 @p0 $0xFFFFE000;
	s19 =	simm.s32 @p0 $0xCA80  }
0x29: {  	[spmem:s2] =	stream.indirect.scatter.add.bf16 @p0 [tilespmem:s20], [sflag:$0x6], $0x40, s19, s18, $0xb8;
	[tilespmem:$0x11C00] =	vst v63  }
0x2a: {  	s18 =	simm.s32 @p0 $0x7  }
0x2b: {  	_ =	swait.ge @p0 [sflag:s18], $0x800  }
0x2c: {  	[sflag:s18] =	ssyncset.done @p0 $0x0  }
0x2d: {  	[sflag:s18] =	ssyncadd.s32 @p0 $0xFFFFF800;
	s18 =	simm.s32 @p0 $0x5  }
0x2e: {  	_ =	swait.ge @p0 [sflag:s18], $0x2000  }
0x2f: {  	[sflag:s18] =	ssyncset.done @p0 $0x0  }
0x30: {  	[sflag:s18] =	ssyncadd.s32 @p0 $0xFFFFE000;
	s18 =	simm.s32 @!p0 $0x2  }
0x31: {  	_ =	swait.ge @!p0 [sflag:s18], $0x2000  }
0x32: {  	s19 =	simm.s32 @!p0 $0xCA80;
	[sflag:s18] =	ssyncset.done @!p0 $0x0  }
0x33: {  	s20 =	simm.s32 @!p0 $0xEC00;
	[sflag:s18] =	ssyncadd.s32 @!p0 $0xFFFFE000;
	s18 =	simm.s32 @!p0 $0x80  }
0x34: {  	[spmem:s2] =	stream.indirect.scatter.add.bf16 @!p0 [tilespmem:s20], [sflag:$0x6], $0x40, s19, s18, $0xb8;
	[tilespmem:$0x11C00] =	vst v63  }
0x35: {  	s20 =	simm.s32 @!p0 $0x10C00  }
0x36: {  	[spmem:s3] =	stream.indirect.scatter.add.f32 @!p0 [tilespmem:s20], [sflag:$0x8], $0x10, s19, s18, $0xb8;
	[tilespmem:$0x11C00] =	vst v63  }
0x37: {  	s18 =	simm.s32 @!p0 $0x5  }
0x38: {  	_ =	swait.ge @!p0 [sflag:s18], $0x2000  }
0x39: {  	[sflag:s18] =	ssyncset.done @!p0 $0x0  }
0x3a: {  	[sflag:s18] =	ssyncadd.s32 @!p0 $0xFFFFE000;
	s18 =	simm.s32 @!p0 $0x8  }
0x3b: {  	_ =	swait.ge @!p0 [sflag:s18], $0x800  }
0x3c: {  	[sflag:s18] =	ssyncset.done @!p0 $0x0  }
0x3d: {  	[sflag:s18] =	ssyncadd.s32 @!p0 $0xFFFFF800  }
0x3e: {  	_ =	swait.ge [sflag:s12], $0x2000  }
0x3f: {  	s17 =	stileid.u32;
	[sflag:s12] =	ssyncset.done $0x0  }
0x40: {  	s17 =	sshll.u32 s17, $0x6;
	[sflag:s12] =	ssyncadd.s32 $0xFFFFE000  }
0x41: {  	s21 =	simm.s32 $0x8;
	s17 =	sor.u32 $0x1C09, s17;
	[bflag:$0x0] =	sbarrier.arrive $0xFFFF  }
0x42: {  	s20 =	simm.s32 $0x10;
	s18 =	sshrl.u32 s7, $0x3;
	s19 =	rddreg [dreg:$0xf]  }
0x43: {  	[hbm:s19@s20], [sflag:s17] =	dma.strided [spmem:s18@s21], $0x1400, s1, $0x8   }
0x44: {  	_ =	swait.ge [sflag:s24], $0x1400  }
0x45: {  	[sflag:s24] =	ssyncset.done $0x0  }
0x46: {  	s19 =	sshrl.u32 s8, $0x3;
	s20 =	rddreg [dreg:$0x10];
	[sflag:s24] =	ssyncadd.s32 $0xFFFFEC00  }
0x47: {  	[hbm:s20], [sflag:s17] =	dma.local [spmem:s19], $0x500  }
0x48: {  	_ =	swait.ge [sflag:s24], $0x500  }
0x49: {  	s16 =	sadd.s32 $0x1, s16;
	s21 =	rddreg [dreg:$0x11]  }
0x4a: {  	p2 =	sne.s32 s16, s21  }
.Ltmp1:
0x4b: {  	_ = 	snop;
	(pc) =	sbr.rel @!p2 .LBB2_8-.Ltmp1, $3  }
0x4c: {  	_ =	sdelay $0x1  }
0x4d: {  	[sflag:s24] =	ssyncset.done $0x0  }
0x4e: {  	[sflag:s24] =	ssyncadd.s32 $0xFFFFFB00  }
.LBB2_1:
0x4f: {  	s18 =	simm.s32 $0x0  }
.LBB2_2:
0x50: {  	p2 =	sne.s32 s18, $0x7F00  }
.Ltmp2:
0x51: {  	s19 =	sshra.s32 s18, $0x2;
	(pc) =	sbr.rel @p2 .LBB2_2-.Ltmp2, $4  }
0x52: {  	[tilespmem:s19+$0xCC00] =	vst v1  }
0x53: {  	[tilespmem:s19+$0xCC10] =	vst v1  }
0x54: {  	[tilespmem:s19+$0xCC20] =	vst v1  }
0x55: {  	s18 =	sadd.s32 $0x100, s18;
	[tilespmem:s19+$0xCC30] =	vst v1  }
0x56: {  	s18 =	simm.s32 $0x40;
	s19 =	simm.s32 $0x0  }
.LBB2_4:
0x57: {  	p2 =	sne.s32 s18, $0x1FC0;
	[tilespmem:s19+$0x10C00] =	vst v2;
	s20 =	smov.u32 s18;
	s18 =	sadd.s32 $0x40, s18  }
.Ltmp3:
0x58: {  	[tilespmem:s19+$0x11400] =	vst v3;
	(pc) =	sbr.rel @p2 .LBB2_4-.Ltmp3, $2  }
0x59: {  	_ =	sdelay $0x2  }
0x5a: {  	s19 =	sshra.s32 s20, $0x2  }
0x5b: {  	[tilespmem:s19+$0x10C00] =	vst v2  }
0x5c: {  	[tilespmem:s19+$0x11400] =	vst v3  }
0x5d: {  	[spmem:s7] =	stream.linear.scatter [tilespmem:s23], [sflag:$0x9], $0x2000, $0x38;
	[tilespmem:$0x11C00] =	vst v63  }
0x5e: {  	_ =	swait.ge [sflag:s24], $0x2000  }
0x5f: {  	[sflag:s24] =	ssyncset.done $0x0  }
0x60: {  	[sflag:s24] =	ssyncadd.s32 $0xFFFFE000  }
0x61: {  	[spmem:s8] =	stream.linear.scatter [tilespmem:s25], [sflag:$0x9], $0x800, $0x38;
	[tilespmem:$0x11C00] =	vst v63  }
0x62: {  	_ =	swait.ge [sflag:s24], $0x800  }
0x63: {  	[sflag:s24] =	ssyncset.done $0x0  }
0x64: {  	s17 =	rddreg [dreg:$0x5];
	[sflag:s24] =	ssyncadd.s32 $0xFFFFF800  }
0x65: {  	[spmem:s17] =	stream.linear.scatter [tilespmem:s23], [sflag:$0x9], $0x2000, $0x38;
	[tilespmem:$0x11C00] =	vst v63  }
0x66: {  	_ =	swait.ge [sflag:s24], $0x2000  }
0x67: {  	[sflag:s24] =	ssyncset.done $0x0  }
0x68: {  	s21 =	rddreg [dreg:$0x6];
	[sflag:s24] =	ssyncadd.s32 $0xFFFFE000  }
0x69: {  	[spmem:s21] =	stream.linear.scatter [tilespmem:s25], [sflag:$0x9], $0x800, $0x38;
	[tilespmem:$0x11C00] =	vst v63  }
0x6a: {  	_ =	swait.ge [sflag:s24], $0x800  }
0x6b: {  	[sflag:s24] =	ssyncset.done $0x0  }
0x6c: {  	s18 =	rddreg [dreg:$0x7];
	[sflag:s24] =	ssyncadd.s32 $0xFFFFF800  }
0x6d: {  	[spmem:s18] =	stream.linear.scatter [tilespmem:s23], [sflag:$0x9], $0x2000, $0x38;
	[tilespmem:$0x11C00] =	vst v63  }
0x6e: {  	_ =	swait.ge [sflag:s24], $0x2000  }
0x6f: {  	[sflag:s24] =	ssyncset.done $0x0  }
0x70: {  	s19 =	rddreg [dreg:$0x8];
	[sflag:s24] =	ssyncadd.s32 $0xFFFFE000  }
0x71: {  	[spmem:s19] =	stream.linear.scatter [tilespmem:s25], [sflag:$0x9], $0x800, $0x38;
	[tilespmem:$0x11C00] =	vst v63  }
0x72: {  	_ =	swait.ge [sflag:s24], $0x800  }
0x73: {  	[sflag:s24] =	ssyncset.done $0x0  }
0x74: {  	s20 =	rddreg [dreg:$0x9];
	[sflag:s24] =	ssyncadd.s32 $0xFFFFF800  }
0x75: {  	[spmem:s20] =	stream.linear.scatter [tilespmem:s23], [sflag:$0x9], $0x2000, $0x38;
	[tilespmem:$0x11C00] =	vst v63  }
0x76: {  	_ =	swait.ge [sflag:s24], $0x2000  }
0x77: {  	[sflag:s24] =	ssyncset.done $0x0  }
0x78: {  	s21 =	rddreg [dreg:$0xa];
	[sflag:s24] =	ssyncadd.s32 $0xFFFFE000  }
0x79: {  	[spmem:s21] =	stream.linear.scatter [tilespmem:s25], [sflag:$0x9], $0x800, $0x38;
	[tilespmem:$0x11C00] =	vst v63  }
0x7a: {  	_ =	swait.ge [sflag:s24], $0x800  }
0x7b: {  	[sflag:s24] =	ssyncset.done $0x0  }
0x7c: {  	s18 =	rddreg [dreg:$0xb];
	[sflag:s24] =	ssyncadd.s32 $0xFFFFF800  }
0x7d: {  	[spmem:s18] =	stream.linear.scatter [tilespmem:s23], [sflag:$0x9], $0x2000, $0x38;
	[tilespmem:$0x11C00] =	vst v63  }
0x7e: {  	_ =	swait.ge [sflag:s24], $0x2000  }
0x7f: {  	[sflag:s24] =	ssyncset.done $0x0  }
0x80: {  	s19 =	rddreg [dreg:$0xc];
	[sflag:s24] =	ssyncadd.s32 $0xFFFFE000  }
0x81: {  	[spmem:s19] =	stream.linear.scatter [tilespmem:s25], [sflag:$0x9], $0x800, $0x38;
	[tilespmem:$0x11C00] =	vst v63  }
0x82: {  	_ =	swait.ge [sflag:s24], $0x800  }
0x83: {  	[sflag:s24] =	ssyncset.done $0x0  }
0x84: {  	[sflag:s24] =	ssyncadd.s32 $0xFFFFF800  }
0x85: {  	[bflag:$0x0] =	sbarrier.arrive $0xFFFF  }
0x86: {  	s20 =	rddreg [dreg:$0xd]  }
0x87: {  	[tilespmem:s26], [sflag:$0x3] =	stream.linear.gather [hbm4b:s20+s4], $0x100, $0x38;
	[tilespmem:$0x11C00] =	vst v63  }
0x88: {  	_ =	swait.ge [sflag:s28], $0x100  }
0x89: {  	[sflag:s28] =	ssyncset.done $0x0  }
0x8a: {  	[sflag:s28] =	ssyncadd.s32 $0xFFFFFF00  }
0x8b: {  	v4 =	vld [tilespmem:$0xC800];
	_ =	sdelay $0x1  }
0x8c: {  	v5 =	vld [tilespmem:$0xC810]  }
0x8d: {  	v6 =	vld [tilespmem:$0xC880]  }
0x8e: {  	v7 =	vld [tilespmem:$0xC820]  }
0x8f: {  	v8 =	vld [tilespmem:$0xC890];
	v4 =	vshll.u32 v4, $0x1  }
0x90: {  	v9 =	vld [tilespmem:$0xC830];
	v4 =	vor.u32 v0, v4  }
0x91: {  	[tilespmem:$0xCB00] =	vst v4;
	v4 =	vshll.u32 v5, $0x1;
	v5 =	vld [tilespmem:$0xC8A0]  }
0x92: {  	v57 =	vld [tilespmem:$0xC840];
	[tilespmem:$0xCA00] =	vst v6;
	v4 =	vor.u32 v0, v4  }
0x93: {  	v58 =	vld [tilespmem:$0xC8B0];
	[tilespmem:$0xCB10] =	vst v4;
	v4 =	vshll.u32 v7, $0x1  }
0x94: {  	v59 =	vld [tilespmem:$0xC850];
	[tilespmem:$0xCA10] =	vst v8;
	v4 =	vor.u32 v0, v4  }
0x95: {  	v60 =	vld [tilespmem:$0xC8C0];
	[tilespmem:$0xCB20] =	vst v4;
	v4 =	vshll.u32 v9, $0x1  }
0x96: {  	[tilespmem:$0xCA20] =	vst v5;
	v4 =	vor.u32 v0, v4;
	v5 =	vld [tilespmem:$0xC860]  }
0x97: {  	v61 =	vld [tilespmem:$0xC8D0];
	[tilespmem:$0xCB30] =	vst v4;
	v4 =	vshll.u32 v57, $0x1  }
0x98: {  	v62 =	vld [tilespmem:$0xC870];
	[tilespmem:$0xCA30] =	vst v58;
	v4 =	vor.u32 v0, v4  }
0x99: {  	v63 =	vld [tilespmem:$0xC8E0];
	[tilespmem:$0xCB40] =	vst v4;
	v4 =	vshll.u32 v59, $0x1  }
0x9a: {  	[tilespmem:$0xCA40] =	vst v60;
	v4 =	vor.u32 v0, v4  }
0x9b: {  	[tilespmem:$0xCB50] =	vst v4;
	v4 =	vshll.u32 v5, $0x1;
	v5 =	vld [tilespmem:$0xC8F0]  }
0x9c: {  	[tilespmem:$0xCA50] =	vst v61;
	v4 =	vor.u32 v0, v4  }
0x9d: {  	[tilespmem:$0xCB60] =	vst v4;
	v4 =	vshll.u32 v62, $0x1  }
0x9e: {  	[tilespmem:$0xCA60] =	vst v63;
	v4 =	vor.u32 v0, v4  }
0x9f: {  	[tilespmem:$0xCB70] =	vst v4  }
0xa0: {  	[tilespmem:$0xCA70] =	vst v5  }
0xa1: {  	[tilespmem:s23], [sflag:$0x1] =	stream.indirect.gather [hbm4b:s6+s29], $0x40, s30, s29, $0xb8;
	[tilespmem:$0x11C00] =	vst v63  }
0xa2: {  	s18 =	simm.s32 $0xFFFFF640;
	s21 =	rddreg [dreg:$0xe]  }
0xa3: {  	[tilespmem:s31], [sflag:$0x4] =	stream.linear.gather [hbm4b:s21+s4], $0x100, $0x38;
	[tilespmem:$0x11C00] =	vst v63  }
.LBB2_6:
0xa4: {  	p2 =	seq.s32 s18, $0xFFFFF640  }
0xa5: {  	_ =	swait.ge [sflag:s0], $0x100;
	p3 =	seq.s32 @!p2 s5, $0x0  }
0xa6: {  	[sflag:s0] =	ssyncset.done $0x0;
	p3 =	por p3, p2  }
0xa7: {  	[sflag:s0] =	ssyncadd.s32 $0xFFFFFF00;
	s19 =	simm.s32 @!p3 $0x8  }
0xa8: {  	_ =	swait.ge @!p3 [sflag:s19], $0x800  }
0xa9: {  	[sflag:s19] =	ssyncset.done @!p3 $0x0  }
0xaa: {  	[sflag:s19] =	ssyncadd.s32 @!p3 $0xFFFFF800;
	s19 =	simm.s32 @!p2 $0x6  }
0xab: {  	_ =	swait.ge @!p2 [sflag:s19], $0x2000  }
0xac: {  	[sflag:s19] =	ssyncset.done @!p2 $0x0  }
0xad: {  	[sflag:s19] =	ssyncadd.s32 @!p2 $0xFFFFE000  }
0xae: {  	v4 =	vld [tilespmem:$0xC900];
	_ =	sdelay $0x1  }
0xaf: {  	v5 =	vld [tilespmem:$0xC910]  }
0xb0: {  	v6 =	vld [tilespmem:$0xC980]  }
0xb1: {  	v7 =	vld [tilespmem:$0xC920]  }
0xb2: {  	v8 =	vld [tilespmem:$0xC990];
	v4 =	vshll.u32 v4, $0x1  }
0xb3: {  	v9 =	vld [tilespmem:$0xC930];
	v4 =	vor.u32 v0, v4  }
0xb4: {  	[tilespmem:$0xCB80] =	vst v4;
	v4 =	vshll.u32 v5, $0x1;
	v5 =	vld [tilespmem:$0xC9A0]  }
0xb5: {  	v57 =	vld [tilespmem:$0xC940];
	[tilespmem:$0xCA80] =	vst v6;
	v4 =	vor.u32 v0, v4  }
0xb6: {  	v58 =	vld [tilespmem:$0xC9B0];
	[tilespmem:$0xCB90] =	vst v4;
	v4 =	vshll.u32 v7, $0x1  }
0xb7: {  	v59 =	vld [tilespmem:$0xC950];
	[tilespmem:$0xCA90] =	vst v8;
	v4 =	vor.u32 v0, v4  }
0xb8: {  	v60 =	vld [tilespmem:$0xC9C0];
	[tilespmem:$0xCBA0] =	vst v4;
	v4 =	vshll.u32 v9, $0x1  }
0xb9: {  	[tilespmem:$0xCAA0] =	vst v5;
	v4 =	vor.u32 v0, v4;
	v5 =	vld [tilespmem:$0xC960]  }
0xba: {  	v61 =	vld [tilespmem:$0xC9D0];
	[tilespmem:$0xCBB0] =	vst v4;
	v4 =	vshll.u32 v57, $0x1  }
0xbb: {  	v62 =	vld [tilespmem:$0xC970];
	[tilespmem:$0xCAB0] =	vst v58;
	v4 =	vor.u32 v0, v4  }
0xbc: {  	v63 =	vld [tilespmem:$0xC9E0];
	[tilespmem:$0xCBC0] =	vst v4;
	v4 =	vshll.u32 v59, $0x1  }
0xbd: {  	[tilespmem:$0xCAC0] =	vst v60;
	v4 =	vor.u32 v0, v4  }
0xbe: {  	[tilespmem:$0xCBD0] =	vst v4;
	v4 =	vshll.u32 v5, $0x1;
	v5 =	vld [tilespmem:$0xC9F0]  }
0xbf: {  	[tilespmem:$0xCAD0] =	vst v61;
	v4 =	vor.u32 v0, v4  }
0xc0: {  	[tilespmem:$0xCBE0] =	vst v4;
	v4 =	vshll.u32 v62, $0x1  }
0xc1: {  	[tilespmem:$0xCAE0] =	vst v63;
	v4 =	vor.u32 v0, v4  }
0xc2: {  	p2 =	sne.s32 s18, $0x0;
	[tilespmem:$0xCBF0] =	vst v4  }
.Ltmp4:
0xc3: {  	[tilespmem:$0xCAF0] =	vst v5;
	(pc) =	sbr.rel @!p2 .LBB2_7-.Ltmp4, $4  }
0xc4: {  	_ =	swait.ge [sflag:s1], $0x2000  }
0xc5: {  	[sflag:s1] =	ssyncset.done $0x0  }
0xc6: {  	[sflag:s1] =	ssyncadd.s32 $0xFFFFE000  }
0xc7: {  	[tilespmem:s10], [sflag:$0x2] =	stream.indirect.gather [hbm4b:s6+s29], $0x40, s9, s29, $0xb8;
	[tilespmem:$0x11C00] =	vst v63  }
0xc8: {  	s19 =	sadd.s32 s18, s22  }
0xc9: {  	s20 =	sadd.s32 $0xA00, s19  }
0xca: {  	[tilespmem:s26], [sflag:$0x3] =	stream.linear.gather [hbm4b:s20+s4], $0x100, $0x38;
	[tilespmem:$0x11C00] =	vst v63  }
0xcb: {  	_ = 	snop  }
0xcc: {  	[spmem:s2] =	stream.indirect.scatter.add.bf16 [tilespmem:s23], [sflag:$0x5], $0x40, s11, s29, $0xb8;
	[tilespmem:$0x11C00] =	vst v63  }
0xcd: {  	s21 =	simm.s32 @p0 $0xCA00;
	s17 =	simm.s32 @p0 $0x10C00;
	s20 =	simm.s32 @p0 $0x80  }
0xce: {  	[spmem:s3] =	stream.indirect.scatter.add.f32 @p0 [tilespmem:s17], [sflag:$0x7], $0x10, s21, s20, $0xb8;
	[tilespmem:$0x11C00] =	vst v63  }
0xcf: {  	s17 =	simm.s32 @p0 $0x3  }
0xd0: {  	_ =	swait.ge @p0 [sflag:s17], $0x100  }
0xd1: {  	[sflag:s17] =	ssyncset.done @p0 $0x0  }
0xd2: {  	[sflag:s17] =	ssyncadd.s32 @p0 $0xFFFFFF00;
	s17 =	simm.s32 @p0 $0x7  }
0xd3: {  	_ =	swait.ge @p0 [sflag:s17], $0x800  }
0xd4: {  	[sflag:s17] =	ssyncset.done @p0 $0x0  }
0xd5: {  	[sflag:s17] =	ssyncadd.s32 @p0 $0xFFFFF800;
	s17 =	simm.s32 @!p0 $0x3  }
0xd6: {  	_ =	swait.ge @!p0 [sflag:s17], $0x100  }
0xd7: {  	[sflag:s17] =	ssyncset.done @!p0 $0x0  }
0xd8: {  	[sflag:s17] =	ssyncadd.s32 @!p0 $0xFFFFFF00  }
0xd9: {  	_ =	swait.ge [sflag:s13], $0x2000  }
0xda: {  	[sflag:s13] =	ssyncset.done $0x0  }
0xdb: {  	[sflag:s13] =	ssyncadd.s32 $0xFFFFE000  }
0xdc: {  	v4 =	vld [tilespmem:$0xC800];
	_ =	sdelay $0x1  }
0xdd: {  	v5 =	vld [tilespmem:$0xC810]  }
0xde: {  	v6 =	vld [tilespmem:$0xC880]  }
0xdf: {  	v7 =	vld [tilespmem:$0xC820]  }
0xe0: {  	v8 =	vld [tilespmem:$0xC890];
	v4 =	vshll.u32 v4, $0x1  }
0xe1: {  	v9 =	vld [tilespmem:$0xC830];
	v4 =	vor.u32 v0, v4  }
0xe2: {  	[tilespmem:$0xCB00] =	vst v4;
	v4 =	vshll.u32 v5, $0x1;
	v5 =	vld [tilespmem:$0xC8A0]  }
0xe3: {  	v57 =	vld [tilespmem:$0xC840];
	[tilespmem:$0xCA00] =	vst v6;
	v4 =	vor.u32 v0, v4  }
0xe4: {  	v58 =	vld [tilespmem:$0xC8B0];
	[tilespmem:$0xCB10] =	vst v4;
	v4 =	vshll.u32 v7, $0x1  }
0xe5: {  	v59 =	vld [tilespmem:$0xC850];
	[tilespmem:$0xCA10] =	vst v8;
	v4 =	vor.u32 v0, v4  }
0xe6: {  	v60 =	vld [tilespmem:$0xC8C0];
	[tilespmem:$0xCB20] =	vst v4;
	v4 =	vshll.u32 v9, $0x1  }
0xe7: {  	[tilespmem:$0xCA20] =	vst v5;
	v4 =	vor.u32 v0, v4;
	v5 =	vld [tilespmem:$0xC860]  }
0xe8: {  	v61 =	vld [tilespmem:$0xC8D0];
	[tilespmem:$0xCB30] =	vst v4;
	v4 =	vshll.u32 v57, $0x1  }
0xe9: {  	v62 =	vld [tilespmem:$0xC870];
	[tilespmem:$0xCA30] =	vst v58;
	v4 =	vor.u32 v0, v4  }
0xea: {  	v63 =	vld [tilespmem:$0xC8E0];
	[tilespmem:$0xCB40] =	vst v4;
	v4 =	vshll.u32 v59, $0x1  }
0xeb: {  	[tilespmem:$0xCA40] =	vst v60;
	v4 =	vor.u32 v0, v4  }
0xec: {  	[tilespmem:$0xCB50] =	vst v4;
	v4 =	vshll.u32 v5, $0x1;
	v5 =	vld [tilespmem:$0xC8F0]  }
0xed: {  	[tilespmem:$0xCA50] =	vst v61;
	v4 =	vor.u32 v0, v4  }
0xee: {  	[tilespmem:$0xCB60] =	vst v4;
	v4 =	vshll.u32 v62, $0x1  }
0xef: {  	[tilespmem:$0xCA60] =	vst v63;
	v4 =	vor.u32 v0, v4  }
0xf0: {  	[tilespmem:$0xCB70] =	vst v4  }
0xf1: {  	[tilespmem:$0xCA70] =	vst v5  }
0xf2: {  	_ =	swait.ge [sflag:s14], $0x2000  }
0xf3: {  	[sflag:s14] =	ssyncset.done $0x0  }
0xf4: {  	[sflag:s14] =	ssyncadd.s32 $0xFFFFE000  }
0xf5: {  	[tilespmem:s23], [sflag:$0x1] =	stream.indirect.gather [hbm4b:s6+s29], $0x40, s30, s29, $0xb8;
	[tilespmem:$0x11C00] =	vst v63  }
0xf6: {  	s21 =	sadd.s32 $0xA20, s19  }
0xf7: {  	[tilespmem:s31], [sflag:$0x4] =	stream.linear.gather [hbm4b:s21+s4], $0x100, $0x38;
	[tilespmem:$0x11C00] =	vst v63  }
.Ltmp5:
0xf8: {  	_ = 	snop;
	(pc) =	sbr.rel .LBB2_6-.Ltmp5, $4  }
0xf9: {  	s18 =	sadd.s32 $0x40, s18  }
0xfa: {  	[spmem:s2] =	stream.indirect.scatter.add.bf16 [tilespmem:s10], [sflag:$0x6], $0x40, s15, s29, $0xb8;
	[tilespmem:$0x11C00] =	vst v63  }
0xfb: {  	s19 =	simm.s32 @p1 $0xCA80;
	s20 =	simm.s32 @p1 $0x10C00;
	s17 =	simm.s32 @p1 $0x80  }
0xfc: {  	[spmem:s3] =	stream.indirect.scatter.add.f32 @p1 [tilespmem:s20], [sflag:$0x8], $0x10, s19, s17, $0xb8;
	[tilespmem:$0x11C00] =	vst v63  }
.LBB2_8:
0xfd: {  	_ =	sfence.sel $0x180000  }
0xfe: {  	[bflag:$0x0] =	sbarrier.arrive $0xFFFF  }
0xff: {  	_ =	strace $0x90000047  }
0x100: {  	s0 =	stileid.u32;
	[bflag:$0x2] =	sbarrier.arrive $0xFFFF  }
0x101: {  	p0 =	sne.s32 s0, $0x0;
	s0 =	rddreg [dreg:$0x4]  }
0x102: {  	s0 =	sadd.s32 @!p0 $0x100000, s0  }
0x103: {  	[sflag:s0] =	ssyncadd.tile.s32 @!p0 $0x1;
	_ =	shalt  }
.Lfunc_end2:
_tile_overlayer_lowered:
.L_overlay_start_2:
0x104: {  	(tag) =	ssettag $0x2  }
0x105: {  	s0 =	rddreg [dreg:$0x0];
	s2 =	stileid.u32  }
0x106: {  	s1 =	rddreg [dreg:$0x1];
	p0 =	sne.s32 s2, $0x0  }
0x107: {  	s3 =	rddreg [dreg:$0x2];
	[bflag:$0x3] =	sbarrier.arrive $0xFFFF;
	s2 =	simm.s32 @!p0 $0x1C09  }
0x108: {  	[timem:s3], [sflag:s2] =	dma.local @!p0 [hbm:s0], s1  }
0x109: {  	s0 =	simm.s32 @!p0 $0x9  }
0x10a: {  	_ =	swait.ge @!p0 [sflag:s0], s1  }
0x10b: {  	s1 =	ssub.s32 @!p0 $0x0, s1;
	[sflag:s0] =	ssyncset.done @!p0 $0x0  }
0x10c: {  	[sflag:s0] =	ssyncadd.s32 @!p0 s1  }
0x10d: {  	[bflag:$0x3] =	sbarrier.arrive $0xFFFF  }
0x10e: {  	_ =	shalt  }

</sc_bundles>
